<compile_context>
chip_gen: v7x
topology: tpu7x:2x2x1
jax: 0.10.2.dev20260603
libtpu: 0.0.44.dev20260713+nightly
codegen_flags: <defaults>
</compile_context>

<pallas_src>
import dataclasses

import jax
import jax.numpy as jnp
from jax import lax
from jax.experimental import pallas as pl
from jax.experimental.pallas import tpu as pltpu
from jax.experimental.pallas import tpu_sc as plsc

N = 10000
D = 128
NC = 2
NS = 16
L = 16
NW = NC * NS
K = 64
CH = 160
CP = 40
P = CH // CP
NB = 4
EPW = CH * K
EP = NW * EPW
NPAD = 10240
RPW = NPAD // NS
BM = 2048

_mesh = plsc.VectorSubcoreMesh(
    core_axis_name="c", subcore_axis_name="s", num_cores=NC, num_subcores=NS
)

_sc_params = pltpu.CompilerParams()
if "needs_layout_passes" in pltpu.CompilerParams.__dataclass_fields__:
    _sc_params = dataclasses.replace(_sc_params, needs_layout_passes=False)


def _deg_body(dst_hbm, deg_hbm, d_v, hist):
    c = lax.axis_index("c")
    s = lax.axis_index("s")
    w = c * NS + s
    zero16 = jnp.zeros((L,), jnp.float32)
    one16 = jnp.ones((L,), jnp.float32)

    @pl.loop(0, NPAD, step=L)
    def _(i):
        hist[pl.ds(i, L)] = zero16

    pltpu.sync_copy(dst_hbm.at[w], d_v)

    @pl.loop(0, CH)
    def _(j):
        for k in range(0, K, L):
            idx = d_v[j, pl.ds(k, L)]
            plsc.addupdate_scatter(hist, [idx], one16)

    pltpu.sync_copy(hist, deg_hbm.at[w])


_deg_call = pl.kernel(
    _deg_body,
    out_type=jax.ShapeDtypeStruct((NW, NPAD), jnp.float32),
    mesh=_mesh,
    scratch_types=[
        pltpu.VMEM((CH, K), jnp.int32),
        pltpu.VMEM((NPAD,), jnp.float32),
    ],
    compiler_params=_sc_params,
)


def _edge_body(g_hbm, src_hbm, dst_hbm, part_hbm, s_v, d_v, bufs, accum,
               gsems, ssems):
    c = lax.axis_index("c")
    s = lax.axis_index("s")
    w = c * NS + s
    zero16 = jnp.zeros((L,), jnp.float32)

    @pl.loop(0, K)
    def _(r):
        for k in range(0, D, L):
            bufs[0][r, pl.ds(k, L)] = zero16

    @pl.loop(0, RPW, step=K)
    def _(r0):
        pltpu.sync_copy(bufs[0], accum.at[pl.ds(s * RPW + r0, K)])

    plsc.subcore_barrier()

    @pl.loop(0, P)
    def _(p):
        pltpu.sync_copy(src_hbm.at[w, pl.ds(p * CP, CP)], s_v)
        pltpu.sync_copy(dst_hbm.at[w, pl.ds(p * CP, CP)], d_v)

        def _gth(jj, b):
            return pltpu.make_async_copy(
                g_hbm.at[s_v.at[jj]], bufs[b], gsems[b])

        for b in range(NB):
            _gth(b, b).start()

        @pl.loop(0, CP, step=NB)
        def _(j):
            scs = []
            for b in range(NB):
                _gth(j + b, b).wait()
                scs.append(pltpu.async_copy(
                    bufs[b], accum.at[d_v.at[j + b]], ssems[b], add=True))
                if b >= 2:
                    bp = b - 2
                    scs[bp].wait()

                    @pl.when(j + NB + bp < CP)
                    def _(bp=bp):
                        _gth(j + NB + bp, bp).start()
            for bp in range(NB - 2, NB):
                scs[bp].wait()

                @pl.when(j + NB + bp < CP)
                def _(bp=bp):
                    _gth(j + NB + bp, bp).start()

    plsc.subcore_barrier()

    pltpu.sync_copy(
        accum.at[pl.ds(s * RPW, RPW)],
        part_hbm.at[c, pl.ds(s * RPW, RPW)],
    )


_edge_call = pl.kernel(
    _edge_body,
    out_type=jax.ShapeDtypeStruct((NC, NPAD, D), jnp.float32),
    mesh=_mesh,
    scratch_types=[
        pltpu.VMEM((CP, K), jnp.int32),
        pltpu.VMEM((CP, K), jnp.int32),
        [pltpu.VMEM((K, D), jnp.float32) for _ in range(NB)],
        pltpu.VMEM_SHARED((NPAD, D), jnp.float32),
        [pltpu.SemaphoreType.DMA for _ in range(NB)],
        [pltpu.SemaphoreType.DMA for _ in range(NB)],
    ],
    compiler_params=_sc_params,
)


def _dis_of(degs_blk):
    deg = jnp.sum(degs_blk, axis=0) + 1.0
    return lax.rsqrt(deg)


def _mm1_body(x_ref, w_ref, degs_ref, g_ref):
    dis = _dis_of(degs_ref[...])
    h = jnp.dot(x_ref[...], w_ref[...], preferred_element_type=jnp.float32)
    g_ref[...] = h * dis[:, None]


_mm1_call = pl.pallas_call(
    _mm1_body,
    grid=(NPAD // BM,),
    in_specs=[
        pl.BlockSpec((BM, D), lambda i: (i, 0)),
        pl.BlockSpec((D, D), lambda i: (0, 0)),
        pl.BlockSpec((NW, BM), lambda i: (0, i)),
    ],
    out_specs=pl.BlockSpec((BM, D), lambda i: (i, 0)),
    out_shape=jax.ShapeDtypeStruct((NPAD, D), jnp.float32),
)


def _mm2_body(p_ref, g1_ref, degs_ref, b1_ref, w2_ref, g2_ref):
    dis = _dis_of(degs_ref[...])
    m = p_ref[0] + p_ref[1] + g1_ref[...]
    a = jnp.maximum(m * dis[:, None] + b1_ref[...], 0.0)
    h2 = jnp.dot(a, w2_ref[...], preferred_element_type=jnp.float32)
    g2_ref[...] = h2 * dis[:, None]


_mm2_call = pl.pallas_call(
    _mm2_body,
    grid=(NPAD // BM,),
    in_specs=[
        pl.BlockSpec((NC, BM, D), lambda i: (0, i, 0)),
        pl.BlockSpec((BM, D), lambda i: (i, 0)),
        pl.BlockSpec((NW, BM), lambda i: (0, i)),
        pl.BlockSpec((1, D), lambda i: (0, 0)),
        pl.BlockSpec((D, D), lambda i: (0, 0)),
    ],
    out_specs=pl.BlockSpec((BM, D), lambda i: (i, 0)),
    out_shape=jax.ShapeDtypeStruct((NPAD, D), jnp.float32),
)


def _out_body(p_ref, g2_ref, degs_ref, b2_ref, o_ref):
    dis = _dis_of(degs_ref[...])
    m = p_ref[0] + p_ref[1] + g2_ref[...]
    o_ref[...] = m * dis[:, None] + b2_ref[...]


_out_call = pl.pallas_call(
    _out_body,
    grid=(NPAD // BM,),
    in_specs=[
        pl.BlockSpec((NC, BM, D), lambda i: (0, i, 0)),
        pl.BlockSpec((BM, D), lambda i: (i, 0)),
        pl.BlockSpec((NW, BM), lambda i: (0, i)),
        pl.BlockSpec((1, D), lambda i: (0, 0)),
    ],
    out_specs=pl.BlockSpec((BM, D), lambda i: (i, 0)),
    out_shape=jax.ShapeDtypeStruct((NPAD, D), jnp.float32),
)


def kernel(x, edge_index, W1, b1, W2, b2):
    e = edge_index.shape[1]
    pad = EP - e
    ar = jnp.arange(pad, dtype=jnp.int32)
    src_p = jnp.concatenate([edge_index[0], ar % N]).reshape(NW, CP * P, K)
    dst_p = jnp.concatenate([edge_index[1], N + ar % (NPAD - N)]).reshape(
        NW, CP * P, K)
    x_p = jnp.pad(x, ((0, NPAD - N), (0, 0)))

    degs = _deg_call(dst_p)
    g1 = _mm1_call(x_p, W1, degs)
    p1 = _edge_call(g1, src_p, dst_p)
    g2 = _mm2_call(p1, g1, degs, b1.reshape(1, D), W2)
    p2 = _edge_call(g2, src_p, dst_p)
    out = _out_call(p2, g2, degs, b2.reshape(1, D))
    return out[:N]

# --- scband reference (transcript-rebuilt; emitter-appended) ---
"""Pipeline reference for scband-gnn-61692910240068 (READ-ONLY COPY).

The authoritative reference and input builder live on the scoring server;
editing this copy changes nothing except your own understanding.
"""

import jax, jax.numpy as jnp
import numpy as np

N = 10000
E = 320000
D_IN = 128
D_HID = 128
D_OUT = 128


def setup_inputs(seed: int = 0):
    key = jax.random.key(seed)
    k1, k2, k3, k4, k5, k6 = jax.random.split(key, 6)
    x = jax.random.normal(k1, (N, D_IN), dtype=jnp.float32)
    edge_index = jax.random.randint(k2, (2, E), 0, N, dtype=jnp.int32)
    W1 = jax.random.normal(k3, (D_IN, D_HID), dtype=jnp.float32) * (1.0 / np.sqrt(D_IN))
    b1 = jnp.zeros((D_HID,), dtype=jnp.float32)
    W2 = jax.random.normal(k4, (D_HID, D_OUT), dtype=jnp.float32) * (1.0 / np.sqrt(D_HID))
    b2 = jnp.zeros((D_OUT,), dtype=jnp.float32)
    return {"x": x, "edge_index": edge_index, "W1": W1, "b1": b1, "W2": W2, "b2": b2}


def _gcn_conv(x, edge_index, W, b):
    # GCNConv: out = D^{-1/2} (A + I) D^{-1/2} X W + b
    n = x.shape[0]
    loop = jnp.arange(n, dtype=edge_index.dtype)
    src = jnp.concatenate([edge_index[0], loop])
    dst = jnp.concatenate([edge_index[1], loop])
    ones = jnp.ones(src.shape[0], dtype=x.dtype)
    deg = jax.ops.segment_sum(ones, dst, num_segments=n)
    deg_inv_sqrt = jnp.where(deg > 0, 1.0 / jnp.sqrt(deg), 0.0)
    norm = deg_inv_sqrt[src] * deg_inv_sqrt[dst]
    h = x @ W
    msg = h[src] * norm[:, None]
    out = jax.ops.segment_sum(msg, dst, num_segments=n)
    return out + b


def reference(x, edge_index, W1, b1, W2, b2):
    h = _gcn_conv(x, edge_index, W1, b1)
    h = jax.nn.relu(h)
    out = _gcn_conv(h, edge_index, W2, b2)
    return out

if __name__ == "__main__":
    import jax
    _d = setup_inputs()
    print(jax.jit(kernel)(*tuple(_d.values())))

</pallas_src>

<mosaic_0001>
#map = affine_map<(d0, d1) -> (0, 0)>
#map1 = affine_map<(d0, d1) -> (0, 0, 0)>
module attributes {stable_mosaic.version = 14 : i64} {
  func.func @_edge_body(%arg0: i32, %arg1: i32, %arg2: memref<10240x128xf32, #tpu.memory_space<hbm>>, %arg3: memref<32x160x64xi32, #tpu.memory_space<hbm>>, %arg4: memref<32x160x64xi32, #tpu.memory_space<hbm>>, %arg5: memref<2x10240x128xf32, #tpu.memory_space<hbm>>, %arg6: memref<40x64xi32, #tpu.memory_space<vmem>>, %arg7: memref<40x64xi32, #tpu.memory_space<vmem>>, %arg8: memref<64x128xf32, #tpu.memory_space<vmem>>, %arg9: memref<64x128xf32, #tpu.memory_space<vmem>>, %arg10: memref<64x128xf32, #tpu.memory_space<vmem>>, %arg11: memref<64x128xf32, #tpu.memory_space<vmem>>, %arg12: memref<10240x128xf32, #tpu.memory_space<vmem_shared>>, %arg13: memref<!tpu.dma_semaphore, #tpu.memory_space<semaphore_mem>>, %arg14: memref<!tpu.dma_semaphore, #tpu.memory_space<semaphore_mem>>, %arg15: memref<!tpu.dma_semaphore, #tpu.memory_space<semaphore_mem>>, %arg16: memref<!tpu.dma_semaphore, #tpu.memory_space<semaphore_mem>>, %arg17: memref<!tpu.dma_semaphore, #tpu.memory_space<semaphore_mem>>, %arg18: memref<!tpu.dma_semaphore, #tpu.memory_space<semaphore_mem>>, %arg19: memref<!tpu.dma_semaphore, #tpu.memory_space<semaphore_mem>>, %arg20: memref<!tpu.dma_semaphore, #tpu.memory_space<semaphore_mem>>) attributes {dimension_semantics = [#tpu.dimension_semantics<core_parallel>, #tpu.dimension_semantics<subcore_parallel>], iteration_bounds = array<i64: 2, 16>, scalar_prefetch = 0 : i64, scratch_operands = 15 : i64, tpu.core_type = #tpu.core_type<sc_vector_subcore>, window_params = [{transform_indices = #map}, {transform_indices = #map1}, {transform_indices = #map1}, {transform_indices = #map1}]} {
    %mul3A = arith.constant 16 : i32
    %mul3A_0 = arith.muli %arg0, %mul3A : i32
    %add3A = arith.addi %mul3A_0, %arg1 : i32
    %broadcast_in_dim3A = arith.constant 0.000000e+00 : f32
    %broadcast_in_dim3A_1 = vector.broadcast %broadcast_in_dim3A : f32 to vector<16xf32>
    %scan3A = arith.constant 0 : i32
    %scan3A_2 = arith.constant 64 : i32
    %scan3A_3 = arith.addi %scan3A, %scan3A_2 : i32
    %scan3A_4 = arith.constant 1 : i32
    scf.for %scan3A_21 = %scan3A to %scan3A_3 step %scan3A_4  : i32 {
      %mul3A_22 = arith.constant 1 : i32
      %mul3A_23 = arith.muli %scan3A_21, %mul3A_22 : i32
      %add3A_24 = arith.constant 0 : i32
      %add3A_25 = arith.addi %add3A_24, %mul3A_23 : i32
      %swap3A = arith.index_cast %add3A_25 : i32 to index
      %swap3A_26 = arith.constant 0 : index
      %swap3A_27 = tpu.vector_load %arg8[%swap3A, %swap3A_26] {strides = array<i32>} : memref<64x128xf32, #tpu.memory_space<vmem>>, vector<16xf32>,
      tpu.vector_store %arg8[%swap3A, %swap3A_26], %broadcast_in_dim3A_1 {strides = array<i32>} : memref<64x128xf32, #tpu.memory_space<vmem>>, vector<16xf32>,
      %swap3A_28 = arith.index_cast %add3A_25 : i32 to index
      %swap3A_29 = arith.constant 16 : index
      %swap3A_30 = tpu.vector_load %arg8[%swap3A_28, %swap3A_29] {strides = array<i32>} : memref<64x128xf32, #tpu.memory_space<vmem>>, vector<16xf32>,
      tpu.vector_store %arg8[%swap3A_28, %swap3A_29], %broadcast_in_dim3A_1 {strides = array<i32>} : memref<64x128xf32, #tpu.memory_space<vmem>>, vector<16xf32>,
      %swap3A_31 = arith.index_cast %add3A_25 : i32 to index
      %swap3A_32 = arith.constant 32 : index
      %swap3A_33 = tpu.vector_load %arg8[%swap3A_31, %swap3A_32] {strides = array<i32>} : memref<64x128xf32, #tpu.memory_space<vmem>>, vector<16xf32>,
      tpu.vector_store %arg8[%swap3A_31, %swap3A_32], %broadcast_in_dim3A_1 {strides = array<i32>} : memref<64x128xf32, #tpu.memory_space<vmem>>, vector<16xf32>,
      %swap3A_34 = arith.index_cast %add3A_25 : i32 to index
      %swap3A_35 = arith.constant 48 : index
      %swap3A_36 = tpu.vector_load %arg8[%swap3A_34, %swap3A_35] {strides = array<i32>} : memref<64x128xf32, #tpu.memory_space<vmem>>, vector<16xf32>,
      tpu.vector_store %arg8[%swap3A_34, %swap3A_35], %broadcast_in_dim3A_1 {strides = array<i32>} : memref<64x128xf32, #tpu.memory_space<vmem>>, vector<16xf32>,
      %swap3A_37 = arith.index_cast %add3A_25 : i32 to index
      %swap3A_38 = arith.constant 64 : index
      %swap3A_39 = tpu.vector_load %arg8[%swap3A_37, %swap3A_38] {strides = array<i32>} : memref<64x128xf32, #tpu.memory_space<vmem>>, vector<16xf32>,
      tpu.vector_store %arg8[%swap3A_37, %swap3A_38], %broadcast_in_dim3A_1 {strides = array<i32>} : memref<64x128xf32, #tpu.memory_space<vmem>>, vector<16xf32>,
      %swap3A_40 = arith.index_cast %add3A_25 : i32 to index
      %swap3A_41 = arith.constant 80 : index
      %swap3A_42 = tpu.vector_load %arg8[%swap3A_40, %swap3A_41] {strides = array<i32>} : memref<64x128xf32, #tpu.memory_space<vmem>>, vector<16xf32>,
      tpu.vector_store %arg8[%swap3A_40, %swap3A_41], %broadcast_in_dim3A_1 {strides = array<i32>} : memref<64x128xf32, #tpu.memory_space<vmem>>, vector<16xf32>,
      %swap3A_43 = arith.index_cast %add3A_25 : i32 to index
      %swap3A_44 = arith.constant 96 : index
      %swap3A_45 = tpu.vector_load %arg8[%swap3A_43, %swap3A_44] {strides = array<i32>} : memref<64x128xf32, #tpu.memory_space<vmem>>, vector<16xf32>,
      tpu.vector_store %arg8[%swap3A_43, %swap3A_44], %broadcast_in_dim3A_1 {strides = array<i32>} : memref<64x128xf32, #tpu.memory_space<vmem>>, vector<16xf32>,
      %swap3A_46 = arith.index_cast %add3A_25 : i32 to index
      %swap3A_47 = arith.constant 112 : index
      %swap3A_48 = tpu.vector_load %arg8[%swap3A_46, %swap3A_47] {strides = array<i32>} : memref<64x128xf32, #tpu.memory_space<vmem>>, vector<16xf32>,
      tpu.vector_store %arg8[%swap3A_46, %swap3A_47], %broadcast_in_dim3A_1 {strides = array<i32>} : memref<64x128xf32, #tpu.memory_space<vmem>>, vector<16xf32>,
    }
    %scan3A_5 = arith.constant 64 : i32
    %scan3A_6 = arith.constant 0 : i32
    %scan3A_7 = arith.constant 10 : i32
    %scan3A_8 = arith.addi %scan3A_6, %scan3A_7 : i32
    %scan3A_9 = arith.constant 1 : i32
    scf.for %scan3A_21 = %scan3A_6 to %scan3A_8 step %scan3A_9  : i32 {
      %mul3A_22 = arith.constant 64 : i32
      %mul3A_23 = arith.muli %scan3A_21, %mul3A_22 : i32
      %add3A_24 = arith.constant 0 : i32
      %add3A_25 = arith.addi %add3A_24, %mul3A_23 : i32
      %mul3A_26 = arith.constant 640 : i32
      %mul3A_27 = arith.muli %arg1, %mul3A_26 : i32
      %add3A_28 = arith.addi %mul3A_27, %add3A_25 : i32
      "tpu.region"() ({
        %run_scoped3A = tpu.sem_alloc : memref<!tpu.dma_semaphore, #tpu.memory_space<semaphore_mem>>
        %dma_start3A = arith.constant 0 : i32
        %dma_start3A_29 = tpu.memref_slice %arg12[%add3A_28, %dma_start3A] : memref<10240x128xf32, #tpu.memory_space<vmem_shared>> -> memref<64x128xf32, #tpu.memory_space<vmem_shared>>
        %dma_start3A_30 = arith.constant 0 : i32
        %dma_start3A_31 = tpu.memref_slice %arg12[%add3A_28, %dma_start3A_30] : memref<10240x128xf32, #tpu.memory_space<vmem_shared>> -> memref<64x128xf32, #tpu.memory_space<vmem_shared>>
        tpu.enqueue_dma source(%arg8 : memref<64x128xf32, #tpu.memory_space<vmem>>) target(%dma_start3A_31 : memref<64x128xf32, #tpu.memory_space<vmem_shared>>) target_semaphore(%run_scoped3A : memref<!tpu.dma_semaphore, #tpu.memory_space<semaphore_mem>>)
        %dma_wait3A = arith.constant 0 : i32
        %dma_wait3A_32 = tpu.memref_slice %arg12[%add3A_28, %dma_wait3A] : memref<10240x128xf32, #tpu.memory_space<vmem_shared>> -> memref<64x128xf32, #tpu.memory_space<vmem_shared>>
        %dma_wait3A_33 = arith.constant 0 : i32
        %dma_wait3A_34 = tpu.memref_slice %arg12[%add3A_28, %dma_wait3A_33] : memref<10240x128xf32, #tpu.memory_space<vmem_shared>> -> memref<64x128xf32, #tpu.memory_space<vmem_shared>>
        tpu.wait_dma2 semaphore(%run_scoped3A : memref<!tpu.dma_semaphore, #tpu.memory_space<semaphore_mem>>) src(%arg8 : memref<64x128xf32, #tpu.memory_space<vmem>>) dst(%dma_wait3A_34 : memref<64x128xf32, #tpu.memory_space<vmem_shared>>)
        tpu.yield
      }) : () -> ()
    }
    %scan3A_10 = arith.constant 10 : i32
    %barrier3A = arith.constant 0 : index
    tpu.barrier barrier_id(%barrier3A)
    %scan3A_11 = arith.constant 0 : i32
    %scan3A_12 = arith.constant 4 : i32
    %scan3A_13 = arith.addi %scan3A_11, %scan3A_12 : i32
    %scan3A_14 = arith.constant 1 : i32
    scf.for %scan3A_21 = %scan3A_11 to %scan3A_13 step %scan3A_14  : i32 {
      %mul3A_22 = arith.constant 1 : i32
      %mul3A_23 = arith.muli %scan3A_21, %mul3A_22 : i32
      %add3A_24 = arith.constant 0 : i32
      %add3A_25 = arith.addi %add3A_24, %mul3A_23 : i32
      %mul3A_26 = arith.constant 40 : i32
      %mul3A_27 = arith.muli %add3A_25, %mul3A_26 : i32
      "tpu.region"() ({
        %run_scoped3A = tpu.sem_alloc : memref<!tpu.dma_semaphore, #tpu.memory_space<semaphore_mem>>
        %dma_start3A_62 = arith.constant 0 : i32
        %dma_start3A_63 = tpu.memref_slice %arg3[%add3A, %mul3A_27, %dma_start3A_62] : memref<32x160x64xi32, #tpu.memory_space<hbm>> -> memref<1x40x64xi32, #tpu.memory_space<hbm>>
        %dma_start3A_64 = tpu.memref_squeeze %dma_start3A_63 : memref<1x40x64xi32, #tpu.memory_space<hbm>> -> memref<40x64xi32, #tpu.memory_space<hbm>>
        %dma_start3A_65 = arith.constant 0 : i32
        %dma_start3A_66 = tpu.memref_slice %arg3[%add3A, %mul3A_27, %dma_start3A_65] : memref<32x160x64xi32, #tpu.memory_space<hbm>> -> memref<1x40x64xi32, #tpu.memory_space<hbm>>
        %dma_start3A_67 = tpu.memref_squeeze %dma_start3A_66 : memref<1x40x64xi32, #tpu.memory_space<hbm>> -> memref<40x64xi32, #tpu.memory_space<hbm>>
        tpu.enqueue_dma source(%dma_start3A_67 : memref<40x64xi32, #tpu.memory_space<hbm>>) target(%arg6 : memref<40x64xi32, #tpu.memory_space<vmem>>) target_semaphore(%run_scoped3A : memref<!tpu.dma_semaphore, #tpu.memory_space<semaphore_mem>>)
        %dma_wait3A = arith.constant 0 : i32
        %dma_wait3A_68 = tpu.memref_slice %arg3[%add3A, %mul3A_27, %dma_wait3A] : memref<32x160x64xi32, #tpu.memory_space<hbm>> -> memref<1x40x64xi32, #tpu.memory_space<hbm>>
        %dma_wait3A_69 = tpu.memref_squeeze %dma_wait3A_68 : memref<1x40x64xi32, #tpu.memory_space<hbm>> -> memref<40x64xi32, #tpu.memory_space<hbm>>
        %dma_wait3A_70 = arith.constant 0 : i32
        %dma_wait3A_71 = tpu.memref_slice %arg3[%add3A, %mul3A_27, %dma_wait3A_70] : memref<32x160x64xi32, #tpu.memory_space<hbm>> -> memref<1x40x64xi32, #tpu.memory_space<hbm>>
        %dma_wait3A_72 = tpu.memref_squeeze %dma_wait3A_71 : memref<1x40x64xi32, #tpu.memory_space<hbm>> -> memref<40x64xi32, #tpu.memory_space<hbm>>
        tpu.wait_dma2 semaphore(%run_scoped3A : memref<!tpu.dma_semaphore, #tpu.memory_space<semaphore_mem>>) src(%dma_wait3A_72 : memref<40x64xi32, #tpu.memory_space<hbm>>) dst(%arg6 : memref<40x64xi32, #tpu.memory_space<vmem>>)
        tpu.yield
      }) : () -> ()
      %mul3A_28 = arith.constant 40 : i32
      %mul3A_29 = arith.muli %add3A_25, %mul3A_28 : i32
      "tpu.region"() ({
        %run_scoped3A = tpu.sem_alloc : memref<!tpu.dma_semaphore, #tpu.memory_space<semaphore_mem>>
        %dma_start3A_62 = arith.constant 0 : i32
        %dma_start3A_63 = tpu.memref_slice %arg4[%add3A, %mul3A_29, %dma_start3A_62] : memref<32x160x64xi32, #tpu.memory_space<hbm>> -> memref<1x40x64xi32, #tpu.memory_space<hbm>>
        %dma_start3A_64 = tpu.memref_squeeze %dma_start3A_63 : memref<1x40x64xi32, #tpu.memory_space<hbm>> -> memref<40x64xi32, #tpu.memory_space<hbm>>
        %dma_start3A_65 = arith.constant 0 : i32
        %dma_start3A_66 = tpu.memref_slice %arg4[%add3A, %mul3A_29, %dma_start3A_65] : memref<32x160x64xi32, #tpu.memory_space<hbm>> -> memref<1x40x64xi32, #tpu.memory_space<hbm>>
        %dma_start3A_67 = tpu.memref_squeeze %dma_start3A_66 : memref<1x40x64xi32, #tpu.memory_space<hbm>> -> memref<40x64xi32, #tpu.memory_space<hbm>>
        tpu.enqueue_dma source(%dma_start3A_67 : memref<40x64xi32, #tpu.memory_space<hbm>>) target(%arg7 : memref<40x64xi32, #tpu.memory_space<vmem>>) target_semaphore(%run_scoped3A : memref<!tpu.dma_semaphore, #tpu.memory_space<semaphore_mem>>)
        %dma_wait3A = arith.constant 0 : i32
        %dma_wait3A_68 = tpu.memref_slice %arg4[%add3A, %mul3A_29, %dma_wait3A] : memref<32x160x64xi32, #tpu.memory_space<hbm>> -> memref<1x40x64xi32, #tpu.memory_space<hbm>>
        %dma_wait3A_69 = tpu.memref_squeeze %dma_wait3A_68 : memref<1x40x64xi32, #tpu.memory_space<hbm>> -> memref<40x64xi32, #tpu.memory_space<hbm>>
        %dma_wait3A_70 = arith.constant 0 : i32
        %dma_wait3A_71 = tpu.memref_slice %arg4[%add3A, %mul3A_29, %dma_wait3A_70] : memref<32x160x64xi32, #tpu.memory_space<hbm>> -> memref<1x40x64xi32, #tpu.memory_space<hbm>>
        %dma_wait3A_72 = tpu.memref_squeeze %dma_wait3A_71 : memref<1x40x64xi32, #tpu.memory_space<hbm>> -> memref<40x64xi32, #tpu.memory_space<hbm>>
        tpu.wait_dma2 semaphore(%run_scoped3A : memref<!tpu.dma_semaphore, #tpu.memory_space<semaphore_mem>>) src(%dma_wait3A_72 : memref<40x64xi32, #tpu.memory_space<hbm>>) dst(%arg7 : memref<40x64xi32, #tpu.memory_space<vmem>>)
        tpu.yield
      }) : () -> ()
      %dma_start3A = arith.constant 0 : i32
      %dma_start3A_30 = arith.constant 0 : i32
      %dma_start3A_31 = tpu.memref_slice %arg6[%dma_start3A, %dma_start3A_30] : memref<40x64xi32, #tpu.memory_space<vmem>> -> memref<1x64xi32, #tpu.memory_space<vmem>>
      %dma_start3A_32 = tpu.memref_squeeze %dma_start3A_31 : memref<1x64xi32, #tpu.memory_space<vmem>> -> memref<64xi32, #tpu.memory_space<vmem>>
      %dma_start3A_33 = arith.constant 0 : i32
      %dma_start3A_34 = arith.constant 0 : i32
      %dma_start3A_35 = tpu.memref_slice %arg2[%dma_start3A_33, %dma_start3A_34] : memref<10240x128xf32, #tpu.memory_space<hbm>> -> memref<10240x128xf32, #tpu.memory_space<hbm>>
      tpu.enqueue_indirect_dma source(%dma_start3A_35 : memref<10240x128xf32, #tpu.memory_space<hbm>>) target(%arg8 : memref<64x128xf32, #tpu.memory_space<vmem>>) offsets(%dma_start3A_32 : memref<64xi32, #tpu.memory_space<vmem>>) semaphore(%arg13 : memref<!tpu.dma_semaphore, #tpu.memory_space<semaphore_mem>>)
      %dma_start3A_36 = arith.constant 1 : i32
      %dma_start3A_37 = arith.constant 0 : i32
      %dma_start3A_38 = tpu.memref_slice %arg6[%dma_start3A_36, %dma_start3A_37] : memref<40x64xi32, #tpu.memory_space<vmem>> -> memref<1x64xi32, #tpu.memory_space<vmem>>
      %dma_start3A_39 = tpu.memref_squeeze %dma_start3A_38 : memref<1x64xi32, #tpu.memory_space<vmem>> -> memref<64xi32, #tpu.memory_space<vmem>>
      %dma_start3A_40 = arith.constant 0 : i32
      %dma_start3A_41 = arith.constant 0 : i32
      %dma_start3A_42 = tpu.memref_slice %arg2[%dma_start3A_40, %dma_start3A_41] : memref<10240x128xf32, #tpu.memory_space<hbm>> -> memref<10240x128xf32, #tpu.memory_space<hbm>>
      tpu.enqueue_indirect_dma source(%dma_start3A_42 : memref<10240x128xf32, #tpu.memory_space<hbm>>) target(%arg9 : memref<64x128xf32, #tpu.memory_space<vmem>>) offsets(%dma_start3A_39 : memref<64xi32, #tpu.memory_space<vmem>>) semaphore(%arg14 : memref<!tpu.dma_semaphore, #tpu.memory_space<semaphore_mem>>)
      %dma_start3A_43 = arith.constant 2 : i32
      %dma_start3A_44 = arith.constant 0 : i32
      %dma_start3A_45 = tpu.memref_slice %arg6[%dma_start3A_43, %dma_start3A_44] : memref<40x64xi32, #tpu.memory_space<vmem>> -> memref<1x64xi32, #tpu.memory_space<vmem>>
      %dma_start3A_46 = tpu.memref_squeeze %dma_start3A_45 : memref<1x64xi32, #tpu.memory_space<vmem>> -> memref<64xi32, #tpu.memory_space<vmem>>
      %dma_start3A_47 = arith.constant 0 : i32
      %dma_start3A_48 = arith.constant 0 : i32
      %dma_start3A_49 = tpu.memref_slice %arg2[%dma_start3A_47, %dma_start3A_48] : memref<10240x128xf32, #tpu.memory_space<hbm>> -> memref<10240x128xf32, #tpu.memory_space<hbm>>
      tpu.enqueue_indirect_dma source(%dma_start3A_49 : memref<10240x128xf32, #tpu.memory_space<hbm>>) target(%arg10 : memref<64x128xf32, #tpu.memory_space<vmem>>) offsets(%dma_start3A_46 : memref<64xi32, #tpu.memory_space<vmem>>) semaphore(%arg15 : memref<!tpu.dma_semaphore, #tpu.memory_space<semaphore_mem>>)
      %dma_start3A_50 = arith.constant 3 : i32
      %dma_start3A_51 = arith.constant 0 : i32
      %dma_start3A_52 = tpu.memref_slice %arg6[%dma_start3A_50, %dma_start3A_51] : memref<40x64xi32, #tpu.memory_space<vmem>> -> memref<1x64xi32, #tpu.memory_space<vmem>>
      %dma_start3A_53 = tpu.memref_squeeze %dma_start3A_52 : memref<1x64xi32, #tpu.memory_space<vmem>> -> memref<64xi32, #tpu.memory_space<vmem>>
      %dma_start3A_54 = arith.constant 0 : i32
      %dma_start3A_55 = arith.constant 0 : i32
      %dma_start3A_56 = tpu.memref_slice %arg2[%dma_start3A_54, %dma_start3A_55] : memref<10240x128xf32, #tpu.memory_space<hbm>> -> memref<10240x128xf32, #tpu.memory_space<hbm>>
      tpu.enqueue_indirect_dma source(%dma_start3A_56 : memref<10240x128xf32, #tpu.memory_space<hbm>>) target(%arg11 : memref<64x128xf32, #tpu.memory_space<vmem>>) offsets(%dma_start3A_53 : memref<64xi32, #tpu.memory_space<vmem>>) semaphore(%arg16 : memref<!tpu.dma_semaphore, #tpu.memory_space<semaphore_mem>>)
      %scan3A_57 = arith.constant 0 : i32
      %scan3A_58 = arith.constant 10 : i32
      %scan3A_59 = arith.addi %scan3A_57, %scan3A_58 : i32
      %scan3A_60 = arith.constant 1 : i32
      scf.for %scan3A_62 = %scan3A_57 to %scan3A_59 step %scan3A_60  : i32 {
        %mul3A_63 = arith.constant 4 : i32
        %mul3A_64 = arith.muli %scan3A_62, %mul3A_63 : i32
        %add3A_65 = arith.constant 0 : i32
        %add3A_66 = arith.addi %add3A_65, %mul3A_64 : i32
        %add3A_67 = arith.constant 0 : i32
        %add3A_68 = arith.addi %add3A_66, %add3A_67 : i32
        %dma_wait3A = arith.constant 0 : i32
        %dma_wait3A_69 = tpu.memref_slice %arg6[%add3A_68, %dma_wait3A] : memref<40x64xi32, #tpu.memory_space<vmem>> -> memref<1x64xi32, #tpu.memory_space<vmem>>
        %dma_wait3A_70 = tpu.memref_squeeze %dma_wait3A_69 : memref<1x64xi32, #tpu.memory_space<vmem>> -> memref<64xi32, #tpu.memory_space<vmem>>
        %dma_wait3A_71 = arith.constant 0 : i32
        %dma_wait3A_72 = arith.constant 0 : i32
        %dma_wait3A_73 = tpu.memref_slice %arg2[%dma_wait3A_71, %dma_wait3A_72] : memref<10240x128xf32, #tpu.memory_space<hbm>> -> memref<10240x128xf32, #tpu.memory_space<hbm>>
        tpu.wait_indirect_dma semaphore(%arg13 : memref<!tpu.dma_semaphore, #tpu.memory_space<semaphore_mem>>) src(%dma_wait3A_73 : memref<10240x128xf32, #tpu.memory_space<hbm>>) dst(%arg8 : memref<64x128xf32, #tpu.memory_space<vmem>>)
        %add3A_74 = arith.constant 0 : i32
        %add3A_75 = arith.addi %add3A_66, %add3A_74 : i32
        %dma_start3A_76 = arith.constant 0 : i32
        %dma_start3A_77 = tpu.memref_slice %arg7[%add3A_75, %dma_start3A_76] : memref<40x64xi32, #tpu.memory_space<vmem>> -> memref<1x64xi32, #tpu.memory_space<vmem>>
        %dma_start3A_78 = tpu.memref_squeeze %dma_start3A_77 : memref<1x64xi32, #tpu.memory_space<vmem>> -> memref<64xi32, #tpu.memory_space<vmem>>
        %dma_start3A_79 = arith.constant 0 : i32
        %dma_start3A_80 = arith.constant 0 : i32
        %dma_start3A_81 = tpu.memref_slice %arg12[%dma_start3A_79, %dma_start3A_80] : memref<10240x128xf32, #tpu.memory_space<vmem_shared>> -> memref<10240x128xf32, #tpu.memory_space<vmem_shared>>
        tpu.enqueue_indirect_dma source(%arg8 : memref<64x128xf32, #tpu.memory_space<vmem>>) target(%dma_start3A_81 : memref<10240x128xf32, #tpu.memory_space<vmem_shared>>) offsets(%dma_start3A_78 : memref<64xi32, #tpu.memory_space<vmem>>) semaphore(%arg17 : memref<!tpu.dma_semaphore, #tpu.memory_space<semaphore_mem>>) {add = true}
        %add3A_82 = arith.constant 1 : i32
        %add3A_83 = arith.addi %add3A_66, %add3A_82 : i32
        %dma_wait3A_84 = arith.constant 0 : i32
        %dma_wait3A_85 = tpu.memref_slice %arg6[%add3A_83, %dma_wait3A_84] : memref<40x64xi32, #tpu.memory_space<vmem>> -> memref<1x64xi32, #tpu.memory_space<vmem>>
        %dma_wait3A_86 = tpu.memref_squeeze %dma_wait3A_85 : memref<1x64xi32, #tpu.memory_space<vmem>> -> memref<64xi32, #tpu.memory_space<vmem>>
        %dma_wait3A_87 = arith.constant 0 : i32
        %dma_wait3A_88 = arith.constant 0 : i32
        %dma_wait3A_89 = tpu.memref_slice %arg2[%dma_wait3A_87, %dma_wait3A_88] : memref<10240x128xf32, #tpu.memory_space<hbm>> -> memref<10240x128xf32, #tpu.memory_space<hbm>>
        tpu.wait_indirect_dma semaphore(%arg14 : memref<!tpu.dma_semaphore, #tpu.memory_space<semaphore_mem>>) src(%dma_wait3A_89 : memref<10240x128xf32, #tpu.memory_space<hbm>>) dst(%arg9 : memref<64x128xf32, #tpu.memory_space<vmem>>)
        %add3A_90 = arith.constant 1 : i32
        %add3A_91 = arith.addi %add3A_66, %add3A_90 : i32
        %dma_start3A_92 = arith.constant 0 : i32
        %dma_start3A_93 = tpu.memref_slice %arg7[%add3A_91, %dma_start3A_92] : memref<40x64xi32, #tpu.memory_space<vmem>> -> memref<1x64xi32, #tpu.memory_space<vmem>>
        %dma_start3A_94 = tpu.memref_squeeze %dma_start3A_93 : memref<1x64xi32, #tpu.memory_space<vmem>> -> memref<64xi32, #tpu.memory_space<vmem>>
        %dma_start3A_95 = arith.constant 0 : i32
        %dma_start3A_96 = arith.constant 0 : i32
        %dma_start3A_97 = tpu.memref_slice %arg12[%dma_start3A_95, %dma_start3A_96] : memref<10240x128xf32, #tpu.memory_space<vmem_shared>> -> memref<10240x128xf32, #tpu.memory_space<vmem_shared>>
        tpu.enqueue_indirect_dma source(%arg9 : memref<64x128xf32, #tpu.memory_space<vmem>>) target(%dma_start3A_97 : memref<10240x128xf32, #tpu.memory_space<vmem_shared>>) offsets(%dma_start3A_94 : memref<64xi32, #tpu.memory_space<vmem>>) semaphore(%arg18 : memref<!tpu.dma_semaphore, #tpu.memory_space<semaphore_mem>>) {add = true}
        %add3A_98 = arith.constant 2 : i32
        %add3A_99 = arith.addi %add3A_66, %add3A_98 : i32
        %dma_wait3A_100 = arith.constant 0 : i32
        %dma_wait3A_101 = tpu.memref_slice %arg6[%add3A_99, %dma_wait3A_100] : memref<40x64xi32, #tpu.memory_space<vmem>> -> memref<1x64xi32, #tpu.memory_space<vmem>>
        %dma_wait3A_102 = tpu.memref_squeeze %dma_wait3A_101 : memref<1x64xi32, #tpu.memory_space<vmem>> -> memref<64xi32, #tpu.memory_space<vmem>>
        %dma_wait3A_103 = arith.constant 0 : i32
        %dma_wait3A_104 = arith.constant 0 : i32
        %dma_wait3A_105 = tpu.memref_slice %arg2[%dma_wait3A_103, %dma_wait3A_104] : memref<10240x128xf32, #tpu.memory_space<hbm>> -> memref<10240x128xf32, #tpu.memory_space<hbm>>
        tpu.wait_indirect_dma semaphore(%arg15 : memref<!tpu.dma_semaphore, #tpu.memory_space<semaphore_mem>>) src(%dma_wait3A_105 : memref<10240x128xf32, #tpu.memory_space<hbm>>) dst(%arg10 : memref<64x128xf32, #tpu.memory_space<vmem>>)
        %add3A_106 = arith.constant 2 : i32
        %add3A_107 = arith.addi %add3A_66, %add3A_106 : i32
        %dma_start3A_108 = arith.constant 0 : i32
        %dma_start3A_109 = tpu.memref_slice %arg7[%add3A_107, %dma_start3A_108] : memref<40x64xi32, #tpu.memory_space<vmem>> -> memref<1x64xi32, #tpu.memory_space<vmem>>
        %dma_start3A_110 = tpu.memref_squeeze %dma_start3A_109 : memref<1x64xi32, #tpu.memory_space<vmem>> -> memref<64xi32, #tpu.memory_space<vmem>>
        %dma_start3A_111 = arith.constant 0 : i32
        %dma_start3A_112 = arith.constant 0 : i32
        %dma_start3A_113 = tpu.memref_slice %arg12[%dma_start3A_111, %dma_start3A_112] : memref<10240x128xf32, #tpu.memory_space<vmem_shared>> -> memref<10240x128xf32, #tpu.memory_space<vmem_shared>>
        tpu.enqueue_indirect_dma source(%arg10 : memref<64x128xf32, #tpu.memory_space<vmem>>) target(%dma_start3A_113 : memref<10240x128xf32, #tpu.memory_space<vmem_shared>>) offsets(%dma_start3A_110 : memref<64xi32, #tpu.memory_space<vmem>>) semaphore(%arg19 : memref<!tpu.dma_semaphore, #tpu.memory_space<semaphore_mem>>) {add = true}
        %dma_wait3A_114 = arith.constant 0 : i32
        %dma_wait3A_115 = tpu.memref_slice %arg7[%add3A_75, %dma_wait3A_114] : memref<40x64xi32, #tpu.memory_space<vmem>> -> memref<1x64xi32, #tpu.memory_space<vmem>>
        %dma_wait3A_116 = tpu.memref_squeeze %dma_wait3A_115 : memref<1x64xi32, #tpu.memory_space<vmem>> -> memref<64xi32, #tpu.memory_space<vmem>>
        %dma_wait3A_117 = arith.constant 0 : i32
        %dma_wait3A_118 = arith.constant 0 : i32
        %dma_wait3A_119 = tpu.memref_slice %arg12[%dma_wait3A_117, %dma_wait3A_118] : memref<10240x128xf32, #tpu.memory_space<vmem_shared>> -> memref<10240x128xf32, #tpu.memory_space<vmem_shared>>
        tpu.wait_indirect_dma semaphore(%arg17 : memref<!tpu.dma_semaphore, #tpu.memory_space<semaphore_mem>>) src(%arg8 : memref<64x128xf32, #tpu.memory_space<vmem>>) dst(%dma_wait3A_119 : memref<10240x128xf32, #tpu.memory_space<vmem_shared>>)
        %add3A_120 = arith.constant 4 : i32
        %add3A_121 = arith.addi %add3A_66, %add3A_120 : i32
        %add3A_122 = arith.constant 0 : i32
        %add3A_123 = arith.addi %add3A_121, %add3A_122 : i32
        %lt3A = arith.constant 40 : i32
        %lt3A_124 = arith.cmpi slt, %add3A_123, %lt3A : i32
        %convert_element_type3A = arith.extui %lt3A_124 : i1 to i32
        %cond3A = arith.constant 0 : i32
        %cond3A_125 = arith.cmpi ne, %convert_element_type3A, %cond3A : i32
        scf.if %cond3A_125 {
          %add3A_187 = arith.constant 4 : i32
          %add3A_188 = arith.addi %add3A_66, %add3A_187 : i32
          %add3A_189 = arith.constant 0 : i32
          %add3A_190 = arith.addi %add3A_188, %add3A_189 : i32
          %dma_start3A_191 = arith.constant 0 : i32
          %dma_start3A_192 = tpu.memref_slice %arg6[%add3A_190, %dma_start3A_191] : memref<40x64xi32, #tpu.memory_space<vmem>> -> memref<1x64xi32, #tpu.memory_space<vmem>>
          %dma_start3A_193 = tpu.memref_squeeze %dma_start3A_192 : memref<1x64xi32, #tpu.memory_space<vmem>> -> memref<64xi32, #tpu.memory_space<vmem>>
          %dma_start3A_194 = arith.constant 0 : i32
          %dma_start3A_195 = arith.constant 0 : i32
          %dma_start3A_196 = tpu.memref_slice %arg2[%dma_start3A_194, %dma_start3A_195] : memref<10240x128xf32, #tpu.memory_space<hbm>> -> memref<10240x128xf32, #tpu.memory_space<hbm>>
          tpu.enqueue_indirect_dma source(%dma_start3A_196 : memref<10240x128xf32, #tpu.memory_space<hbm>>) target(%arg8 : memref<64x128xf32, #tpu.memory_space<vmem>>) offsets(%dma_start3A_193 : memref<64xi32, #tpu.memory_space<vmem>>) semaphore(%arg13 : memref<!tpu.dma_semaphore, #tpu.memory_space<semaphore_mem>>)
        } else {
        }
        %add3A_126 = arith.constant 3 : i32
        %add3A_127 = arith.addi %add3A_66, %add3A_126 : i32
        %dma_wait3A_128 = arith.constant 0 : i32
        %dma_wait3A_129 = tpu.memref_slice %arg6[%add3A_127, %dma_wait3A_128] : memref<40x64xi32, #tpu.memory_space<vmem>> -> memref<1x64xi32, #tpu.memory_space<vmem>>
        %dma_wait3A_130 = tpu.memref_squeeze %dma_wait3A_129 : memref<1x64xi32, #tpu.memory_space<vmem>> -> memref<64xi32, #tpu.memory_space<vmem>>
        %dma_wait3A_131 = arith.constant 0 : i32
        %dma_wait3A_132 = arith.constant 0 : i32
        %dma_wait3A_133 = tpu.memref_slice %arg2[%dma_wait3A_131, %dma_wait3A_132] : memref<10240x128xf32, #tpu.memory_space<hbm>> -> memref<10240x128xf32, #tpu.memory_space<hbm>>
        tpu.wait_indirect_dma semaphore(%arg16 : memref<!tpu.dma_semaphore, #tpu.memory_space<semaphore_mem>>) src(%dma_wait3A_133 : memref<10240x128xf32, #tpu.memory_space<hbm>>) dst(%arg11 : memref<64x128xf32, #tpu.memory_space<vmem>>)
        %add3A_134 = arith.constant 3 : i32
        %add3A_135 = arith.addi %add3A_66, %add3A_134 : i32
        %dma_start3A_136 = arith.constant 0 : i32
        %dma_start3A_137 = tpu.memref_slice %arg7[%add3A_135, %dma_start3A_136] : memref<40x64xi32, #tpu.memory_space<vmem>> -> memref<1x64xi32, #tpu.memory_space<vmem>>
        %dma_start3A_138 = tpu.memref_squeeze %dma_start3A_137 : memref<1x64xi32, #tpu.memory_space<vmem>> -> memref<64xi32, #tpu.memory_space<vmem>>
        %dma_start3A_139 = arith.constant 0 : i32
        %dma_start3A_140 = arith.constant 0 : i32
        %dma_start3A_141 = tpu.memref_slice %arg12[%dma_start3A_139, %dma_start3A_140] : memref<10240x128xf32, #tpu.memory_space<vmem_shared>> -> memref<10240x128xf32, #tpu.memory_space<vmem_shared>>
        tpu.enqueue_indirect_dma source(%arg11 : memref<64x128xf32, #tpu.memory_space<vmem>>) target(%dma_start3A_141 : memref<10240x128xf32, #tpu.memory_space<vmem_shared>>) offsets(%dma_start3A_138 : memref<64xi32, #tpu.memory_space<vmem>>) semaphore(%arg20 : memref<!tpu.dma_semaphore, #tpu.memory_space<semaphore_mem>>) {add = true}
        %dma_wait3A_142 = arith.constant 0 : i32
        %dma_wait3A_143 = tpu.memref_slice %arg7[%add3A_91, %dma_wait3A_142] : memref<40x64xi32, #tpu.memory_space<vmem>> -> memref<1x64xi32, #tpu.memory_space<vmem>>
        %dma_wait3A_144 = tpu.memref_squeeze %dma_wait3A_143 : memref<1x64xi32, #tpu.memory_space<vmem>> -> memref<64xi32, #tpu.memory_space<vmem>>
        %dma_wait3A_145 = arith.constant 0 : i32
        %dma_wait3A_146 = arith.constant 0 : i32
        %dma_wait3A_147 = tpu.memref_slice %arg12[%dma_wait3A_145, %dma_wait3A_146] : memref<10240x128xf32, #tpu.memory_space<vmem_shared>> -> memref<10240x128xf32, #tpu.memory_space<vmem_shared>>
        tpu.wait_indirect_dma semaphore(%arg18 : memref<!tpu.dma_semaphore, #tpu.memory_space<semaphore_mem>>) src(%arg9 : memref<64x128xf32, #tpu.memory_space<vmem>>) dst(%dma_wait3A_147 : memref<10240x128xf32, #tpu.memory_space<vmem_shared>>)
        %add3A_148 = arith.constant 4 : i32
        %add3A_149 = arith.addi %add3A_66, %add3A_148 : i32
        %add3A_150 = arith.constant 1 : i32
        %add3A_151 = arith.addi %add3A_149, %add3A_150 : i32
        %lt3A_152 = arith.constant 40 : i32
        %lt3A_153 = arith.cmpi slt, %add3A_151, %lt3A_152 : i32
        %convert_element_type3A_154 = arith.extui %lt3A_153 : i1 to i32
        %cond3A_155 = arith.constant 0 : i32
        %cond3A_156 = arith.cmpi ne, %convert_element_type3A_154, %cond3A_155 : i32
        scf.if %cond3A_156 {
          %add3A_187 = arith.constant 4 : i32
          %add3A_188 = arith.addi %add3A_66, %add3A_187 : i32
          %add3A_189 = arith.constant 1 : i32
          %add3A_190 = arith.addi %add3A_188, %add3A_189 : i32
          %dma_start3A_191 = arith.constant 0 : i32
          %dma_start3A_192 = tpu.memref_slice %arg6[%add3A_190, %dma_start3A_191] : memref<40x64xi32, #tpu.memory_space<vmem>> -> memref<1x64xi32, #tpu.memory_space<vmem>>
          %dma_start3A_193 = tpu.memref_squeeze %dma_start3A_192 : memref<1x64xi32, #tpu.memory_space<vmem>> -> memref<64xi32, #tpu.memory_space<vmem>>
          %dma_start3A_194 = arith.constant 0 : i32
          %dma_start3A_195 = arith.constant 0 : i32
          %dma_start3A_196 = tpu.memref_slice %arg2[%dma_start3A_194, %dma_start3A_195] : memref<10240x128xf32, #tpu.memory_space<hbm>> -> memref<10240x128xf32, #tpu.memory_space<hbm>>
          tpu.enqueue_indirect_dma source(%dma_start3A_196 : memref<10240x128xf32, #tpu.memory_space<hbm>>) target(%arg9 : memref<64x128xf32, #tpu.memory_space<vmem>>) offsets(%dma_start3A_193 : memref<64xi32, #tpu.memory_space<vmem>>) semaphore(%arg14 : memref<!tpu.dma_semaphore, #tpu.memory_space<semaphore_mem>>)
        } else {
        }
        %dma_wait3A_157 = arith.constant 0 : i32
        %dma_wait3A_158 = tpu.memref_slice %arg7[%add3A_107, %dma_wait3A_157] : memref<40x64xi32, #tpu.memory_space<vmem>> -> memref<1x64xi32, #tpu.memory_space<vmem>>
        %dma_wait3A_159 = tpu.memref_squeeze %dma_wait3A_158 : memref<1x64xi32, #tpu.memory_space<vmem>> -> memref<64xi32, #tpu.memory_space<vmem>>
        %dma_wait3A_160 = arith.constant 0 : i32
        %dma_wait3A_161 = arith.constant 0 : i32
        %dma_wait3A_162 = tpu.memref_slice %arg12[%dma_wait3A_160, %dma_wait3A_161] : memref<10240x128xf32, #tpu.memory_space<vmem_shared>> -> memref<10240x128xf32, #tpu.memory_space<vmem_shared>>
        tpu.wait_indirect_dma semaphore(%arg19 : memref<!tpu.dma_semaphore, #tpu.memory_space<semaphore_mem>>) src(%arg10 : memref<64x128xf32, #tpu.memory_space<vmem>>) dst(%dma_wait3A_162 : memref<10240x128xf32, #tpu.memory_space<vmem_shared>>)
        %add3A_163 = arith.constant 4 : i32
        %add3A_164 = arith.addi %add3A_66, %add3A_163 : i32
        %add3A_165 = arith.constant 2 : i32
        %add3A_166 = arith.addi %add3A_164, %add3A_165 : i32
        %lt3A_167 = arith.constant 40 : i32
        %lt3A_168 = arith.cmpi slt, %add3A_166, %lt3A_167 : i32
        %convert_element_type3A_169 = arith.extui %lt3A_168 : i1 to i32
        %cond3A_170 = arith.constant 0 : i32
        %cond3A_171 = arith.cmpi ne, %convert_element_type3A_169, %cond3A_170 : i32
        scf.if %cond3A_171 {
          %add3A_187 = arith.constant 4 : i32
          %add3A_188 = arith.addi %add3A_66, %add3A_187 : i32
          %add3A_189 = arith.constant 2 : i32
          %add3A_190 = arith.addi %add3A_188, %add3A_189 : i32
          %dma_start3A_191 = arith.constant 0 : i32
          %dma_start3A_192 = tpu.memref_slice %arg6[%add3A_190, %dma_start3A_191] : memref<40x64xi32, #tpu.memory_space<vmem>> -> memref<1x64xi32, #tpu.memory_space<vmem>>
          %dma_start3A_193 = tpu.memref_squeeze %dma_start3A_192 : memref<1x64xi32, #tpu.memory_space<vmem>> -> memref<64xi32, #tpu.memory_space<vmem>>
          %dma_start3A_194 = arith.constant 0 : i32
          %dma_start3A_195 = arith.constant 0 : i32
          %dma_start3A_196 = tpu.memref_slice %arg2[%dma_start3A_194, %dma_start3A_195] : memref<10240x128xf32, #tpu.memory_space<hbm>> -> memref<10240x128xf32, #tpu.memory_space<hbm>>
          tpu.enqueue_indirect_dma source(%dma_start3A_196 : memref<10240x128xf32, #tpu.memory_space<hbm>>) target(%arg10 : memref<64x128xf32, #tpu.memory_space<vmem>>) offsets(%dma_start3A_193 : memref<64xi32, #tpu.memory_space<vmem>>) semaphore(%arg15 : memref<!tpu.dma_semaphore, #tpu.memory_space<semaphore_mem>>)
        } else {
        }
        %dma_wait3A_172 = arith.constant 0 : i32
        %dma_wait3A_173 = tpu.memref_slice %arg7[%add3A_135, %dma_wait3A_172] : memref<40x64xi32, #tpu.memory_space<vmem>> -> memref<1x64xi32, #tpu.memory_space<vmem>>
        %dma_wait3A_174 = tpu.memref_squeeze %dma_wait3A_173 : memref<1x64xi32, #tpu.memory_space<vmem>> -> memref<64xi32, #tpu.memory_space<vmem>>
        %dma_wait3A_175 = arith.constant 0 : i32
        %dma_wait3A_176 = arith.constant 0 : i32
        %dma_wait3A_177 = tpu.memref_slice %arg12[%dma_wait3A_175, %dma_wait3A_176] : memref<10240x128xf32, #tpu.memory_space<vmem_shared>> -> memref<10240x128xf32, #tpu.memory_space<vmem_shared>>
        tpu.wait_indirect_dma semaphore(%arg20 : memref<!tpu.dma_semaphore, #tpu.memory_space<semaphore_mem>>) src(%arg11 : memref<64x128xf32, #tpu.memory_space<vmem>>) dst(%dma_wait3A_177 : memref<10240x128xf32, #tpu.memory_space<vmem_shared>>)
        %add3A_178 = arith.constant 4 : i32
        %add3A_179 = arith.addi %add3A_66, %add3A_178 : i32
        %add3A_180 = arith.constant 3 : i32
        %add3A_181 = arith.addi %add3A_179, %add3A_180 : i32
        %lt3A_182 = arith.constant 40 : i32
        %lt3A_183 = arith.cmpi slt, %add3A_181, %lt3A_182 : i32
        %convert_element_type3A_184 = arith.extui %lt3A_183 : i1 to i32
        %cond3A_185 = arith.constant 0 : i32
        %cond3A_186 = arith.cmpi ne, %convert_element_type3A_184, %cond3A_185 : i32
        scf.if %cond3A_186 {
          %add3A_187 = arith.constant 4 : i32
          %add3A_188 = arith.addi %add3A_66, %add3A_187 : i32
          %add3A_189 = arith.constant 3 : i32
          %add3A_190 = arith.addi %add3A_188, %add3A_189 : i32
          %dma_start3A_191 = arith.constant 0 : i32
          %dma_start3A_192 = tpu.memref_slice %arg6[%add3A_190, %dma_start3A_191] : memref<40x64xi32, #tpu.memory_space<vmem>> -> memref<1x64xi32, #tpu.memory_space<vmem>>
          %dma_start3A_193 = tpu.memref_squeeze %dma_start3A_192 : memref<1x64xi32, #tpu.memory_space<vmem>> -> memref<64xi32, #tpu.memory_space<vmem>>
          %dma_start3A_194 = arith.constant 0 : i32
          %dma_start3A_195 = arith.constant 0 : i32
          %dma_start3A_196 = tpu.memref_slice %arg2[%dma_start3A_194, %dma_start3A_195] : memref<10240x128xf32, #tpu.memory_space<hbm>> -> memref<10240x128xf32, #tpu.memory_space<hbm>>
          tpu.enqueue_indirect_dma source(%dma_start3A_196 : memref<10240x128xf32, #tpu.memory_space<hbm>>) target(%arg11 : memref<64x128xf32, #tpu.memory_space<vmem>>) offsets(%dma_start3A_193 : memref<64xi32, #tpu.memory_space<vmem>>) semaphore(%arg16 : memref<!tpu.dma_semaphore, #tpu.memory_space<semaphore_mem>>)
        } else {
        }
      }
      %scan3A_61 = arith.constant 10 : i32
    }
    %scan3A_15 = arith.constant 4 : i32
    %barrier3A_16 = arith.constant 0 : index
    tpu.barrier barrier_id(%barrier3A_16)
    %mul3A_17 = arith.constant 640 : i32
    %mul3A_18 = arith.muli %arg1, %mul3A_17 : i32
    %mul3A_19 = arith.constant 640 : i32
    %mul3A_20 = arith.muli %arg1, %mul3A_19 : i32
    "tpu.region"() ({
      %run_scoped3A = tpu.sem_alloc : memref<!tpu.dma_semaphore, #tpu.memory_space<semaphore_mem>>
      %dma_start3A = arith.constant 0 : i32
      %dma_start3A_21 = tpu.memref_slice %arg5[%arg0, %mul3A_20, %dma_start3A] : memref<2x10240x128xf32, #tpu.memory_space<hbm>> -> memref<1x640x128xf32, #tpu.memory_space<hbm>>
      %dma_start3A_22 = tpu.memref_squeeze %dma_start3A_21 : memref<1x640x128xf32, #tpu.memory_space<hbm>> -> memref<640x128xf32, #tpu.memory_space<hbm>>
      %dma_start3A_23 = arith.constant 0 : i32
      %dma_start3A_24 = tpu.memref_slice %arg12[%mul3A_18, %dma_start3A_23] : memref<10240x128xf32, #tpu.memory_space<vmem_shared>> -> memref<640x128xf32, #tpu.memory_space<vmem_shared>>
      tpu.enqueue_dma source(%dma_start3A_24 : memref<640x128xf32, #tpu.memory_space<vmem_shared>>) target(%dma_start3A_22 : memref<640x128xf32, #tpu.memory_space<hbm>>) target_semaphore(%run_scoped3A : memref<!tpu.dma_semaphore, #tpu.memory_space<semaphore_mem>>)
      %dma_wait3A = arith.constant 0 : i32
      %dma_wait3A_25 = tpu.memref_slice %arg5[%arg0, %mul3A_20, %dma_wait3A] : memref<2x10240x128xf32, #tpu.memory_space<hbm>> -> memref<1x640x128xf32, #tpu.memory_space<hbm>>
      %dma_wait3A_26 = tpu.memref_squeeze %dma_wait3A_25 : memref<1x640x128xf32, #tpu.memory_space<hbm>> -> memref<640x128xf32, #tpu.memory_space<hbm>>
      %dma_wait3A_27 = arith.constant 0 : i32
      %dma_wait3A_28 = tpu.memref_slice %arg12[%mul3A_18, %dma_wait3A_27] : memref<10240x128xf32, #tpu.memory_space<vmem_shared>> -> memref<640x128xf32, #tpu.memory_space<vmem_shared>>
      tpu.wait_dma2 semaphore(%run_scoped3A : memref<!tpu.dma_semaphore, #tpu.memory_space<semaphore_mem>>) src(%dma_wait3A_28 : memref<640x128xf32, #tpu.memory_space<vmem_shared>>) dst(%dma_wait3A_26 : memref<640x128xf32, #tpu.memory_space<hbm>>)
      tpu.yield
    }) : () -> ()
    return
  }
}

#map = affine_map<(d0, d1) -> (0, 0)>
#map1 = affine_map<(d0, d1) -> (0, 0, 0)>
module attributes {stable_mosaic.version = 14 : i64} {
  func.func @_edge_body(%arg0: i32, %arg1: i32, %arg2: memref<10240x128xf32, #tpu.memory_space<hbm>>, %arg3: memref<32x160x64xi32, #tpu.memory_space<hbm>>, %arg4: memref<32x160x64xi32, #tpu.memory_space<hbm>>, %arg5: memref<2x10240x128xf32, #tpu.memory_space<hbm>>, %arg6: memref<40x64xi32, #tpu.memory_space<vmem>>, %arg7: memref<40x64xi32, #tpu.memory_space<vmem>>, %arg8: memref<64x128xf32, #tpu.memory_space<vmem>>, %arg9: memref<64x128xf32, #tpu.memory_space<vmem>>, %arg10: memref<64x128xf32, #tpu.memory_space<vmem>>, %arg11: memref<64x128xf32, #tpu.memory_space<vmem>>, %arg12: memref<10240x128xf32, #tpu.memory_space<vmem_shared>>, %arg13: memref<!tpu.dma_semaphore, #tpu.memory_space<semaphore_mem>>, %arg14: memref<!tpu.dma_semaphore, #tpu.memory_space<semaphore_mem>>, %arg15: memref<!tpu.dma_semaphore, #tpu.memory_space<semaphore_mem>>, %arg16: memref<!tpu.dma_semaphore, #tpu.memory_space<semaphore_mem>>, %arg17: memref<!tpu.dma_semaphore, #tpu.memory_space<semaphore_mem>>, %arg18: memref<!tpu.dma_semaphore, #tpu.memory_space<semaphore_mem>>, %arg19: memref<!tpu.dma_semaphore, #tpu.memory_space<semaphore_mem>>, %arg20: memref<!tpu.dma_semaphore, #tpu.memory_space<semaphore_mem>>) attributes {dimension_semantics = [#tpu.dimension_semantics<core_parallel>, #tpu.dimension_semantics<subcore_parallel>], iteration_bounds = array<i64: 2, 16>, scalar_prefetch = 0 : i64, scratch_operands = 15 : i64, tpu.core_type = #tpu.core_type<sc_vector_subcore>, window_params = [{transform_indices = #map}, {transform_indices = #map1}, {transform_indices = #map1}, {transform_indices = #map1}]} {
    %mul3A = arith.constant 16 : i32
    %mul3A_0 = arith.muli %arg0, %mul3A : i32
    %add3A = arith.addi %mul3A_0, %arg1 : i32
    %broadcast_in_dim3A = arith.constant 0.000000e+00 : f32
    %broadcast_in_dim3A_1 = vector.broadcast %broadcast_in_dim3A : f32 to vector<16xf32>
    %scan3A = arith.constant 0 : i32
    %scan3A_2 = arith.constant 64 : i32
    %scan3A_3 = arith.addi %scan3A, %scan3A_2 : i32
    %scan3A_4 = arith.constant 1 : i32
    scf.for %scan3A_21 = %scan3A to %scan3A_3 step %scan3A_4  : i32 {
      %mul3A_22 = arith.constant 1 : i32
      %mul3A_23 = arith.muli %scan3A_21, %mul3A_22 : i32
      %add3A_24 = arith.constant 0 : i32
      %add3A_25 = arith.addi %add3A_24, %mul3A_23 : i32
      %swap3A = arith.index_cast %add3A_25 : i32 to index
      %swap3A_26 = arith.constant 0 : index
      %swap3A_27 = tpu.vector_load %arg8[%swap3A, %swap3A_26] {strides = array<i32>} : memref<64x128xf32, #tpu.memory_space<vmem>>, vector<16xf32>,
      tpu.vector_store %arg8[%swap3A, %swap3A_26], %broadcast_in_dim3A_1 {strides = array<i32>} : memref<64x128xf32, #tpu.memory_space<vmem>>, vector<16xf32>,
      %swap3A_28 = arith.index_cast %add3A_25 : i32 to index
      %swap3A_29 = arith.constant 16 : index
      %swap3A_30 = tpu.vector_load %arg8[%swap3A_28, %swap3A_29] {strides = array<i32>} : memref<64x128xf32, #tpu.memory_space<vmem>>, vector<16xf32>,
      tpu.vector_store %arg8[%swap3A_28, %swap3A_29], %broadcast_in_dim3A_1 {strides = array<i32>} : memref<64x128xf32, #tpu.memory_space<vmem>>, vector<16xf32>,
      %swap3A_31 = arith.index_cast %add3A_25 : i32 to index
      %swap3A_32 = arith.constant 32 : index
      %swap3A_33 = tpu.vector_load %arg8[%swap3A_31, %swap3A_32] {strides = array<i32>} : memref<64x128xf32, #tpu.memory_space<vmem>>, vector<16xf32>,
      tpu.vector_store %arg8[%swap3A_31, %swap3A_32], %broadcast_in_dim3A_1 {strides = array<i32>} : memref<64x128xf32, #tpu.memory_space<vmem>>, vector<16xf32>,
      %swap3A_34 = arith.index_cast %add3A_25 : i32 to index
      %swap3A_35 = arith.constant 48 : index
      %swap3A_36 = tpu.vector_load %arg8[%swap3A_34, %swap3A_35] {strides = array<i32>} : memref<64x128xf32, #tpu.memory_space<vmem>>, vector<16xf32>,
      tpu.vector_store %arg8[%swap3A_34, %swap3A_35], %broadcast_in_dim3A_1 {strides = array<i32>} : memref<64x128xf32, #tpu.memory_space<vmem>>, vector<16xf32>,
      %swap3A_37 = arith.index_cast %add3A_25 : i32 to index
      %swap3A_38 = arith.constant 64 : index
      %swap3A_39 = tpu.vector_load %arg8[%swap3A_37, %swap3A_38] {strides = array<i32>} : memref<64x128xf32, #tpu.memory_space<vmem>>, vector<16xf32>,
      tpu.vector_store %arg8[%swap3A_37, %swap3A_38], %broadcast_in_dim3A_1 {strides = array<i32>} : memref<64x128xf32, #tpu.memory_space<vmem>>, vector<16xf32>,
      %swap3A_40 = arith.index_cast %add3A_25 : i32 to index
      %swap3A_41 = arith.constant 80 : index
      %swap3A_42 = tpu.vector_load %arg8[%swap3A_40, %swap3A_41] {strides = array<i32>} : memref<64x128xf32, #tpu.memory_space<vmem>>, vector<16xf32>,
      tpu.vector_store %arg8[%swap3A_40, %swap3A_41], %broadcast_in_dim3A_1 {strides = array<i32>} : memref<64x128xf32, #tpu.memory_space<vmem>>, vector<16xf32>,
      %swap3A_43 = arith.index_cast %add3A_25 : i32 to index
      %swap3A_44 = arith.constant 96 : index
      %swap3A_45 = tpu.vector_load %arg8[%swap3A_43, %swap3A_44] {strides = array<i32>} : memref<64x128xf32, #tpu.memory_space<vmem>>, vector<16xf32>,
      tpu.vector_store %arg8[%swap3A_43, %swap3A_44], %broadcast_in_dim3A_1 {strides = array<i32>} : memref<64x128xf32, #tpu.memory_space<vmem>>, vector<16xf32>,
      %swap3A_46 = arith.index_cast %add3A_25 : i32 to index
      %swap3A_47 = arith.constant 112 : index
      %swap3A_48 = tpu.vector_load %arg8[%swap3A_46, %swap3A_47] {strides = array<i32>} : memref<64x128xf32, #tpu.memory_space<vmem>>, vector<16xf32>,
      tpu.vector_store %arg8[%swap3A_46, %swap3A_47], %broadcast_in_dim3A_1 {strides = array<i32>} : memref<64x128xf32, #tpu.memory_space<vmem>>, vector<16xf32>,
    }
    %scan3A_5 = arith.constant 64 : i32
    %scan3A_6 = arith.constant 0 : i32
    %scan3A_7 = arith.constant 10 : i32
    %scan3A_8 = arith.addi %scan3A_6, %scan3A_7 : i32
    %scan3A_9 = arith.constant 1 : i32
    scf.for %scan3A_21 = %scan3A_6 to %scan3A_8 step %scan3A_9  : i32 {
      %mul3A_22 = arith.constant 64 : i32
      %mul3A_23 = arith.muli %scan3A_21, %mul3A_22 : i32
      %add3A_24 = arith.constant 0 : i32
      %add3A_25 = arith.addi %add3A_24, %mul3A_23 : i32
      %mul3A_26 = arith.constant 640 : i32
      %mul3A_27 = arith.muli %arg1, %mul3A_26 : i32
      %add3A_28 = arith.addi %mul3A_27, %add3A_25 : i32
      "tpu.region"() ({
        %run_scoped3A = tpu.sem_alloc : memref<!tpu.dma_semaphore, #tpu.memory_space<semaphore_mem>>
        %dma_start3A = arith.constant 0 : i32
        %dma_start3A_29 = tpu.memref_slice %arg12[%add3A_28, %dma_start3A] : memref<10240x128xf32, #tpu.memory_space<vmem_shared>> -> memref<64x128xf32, #tpu.memory_space<vmem_shared>>
        %dma_start3A_30 = arith.constant 0 : i32
        %dma_start3A_31 = tpu.memref_slice %arg12[%add3A_28, %dma_start3A_30] : memref<10240x128xf32, #tpu.memory_space<vmem_shared>> -> memref<64x128xf32, #tpu.memory_space<vmem_shared>>
        tpu.enqueue_dma source(%arg8 : memref<64x128xf32, #tpu.memory_space<vmem>>) target(%dma_start3A_31 : memref<64x128xf32, #tpu.memory_space<vmem_shared>>) target_semaphore(%run_scoped3A : memref<!tpu.dma_semaphore, #tpu.memory_space<semaphore_mem>>)
        %dma_wait3A = arith.constant 0 : i32
        %dma_wait3A_32 = tpu.memref_slice %arg12[%add3A_28, %dma_wait3A] : memref<10240x128xf32, #tpu.memory_space<vmem_shared>> -> memref<64x128xf32, #tpu.memory_space<vmem_shared>>
        %dma_wait3A_33 = arith.constant 0 : i32
        %dma_wait3A_34 = tpu.memref_slice %arg12[%add3A_28, %dma_wait3A_33] : memref<10240x128xf32, #tpu.memory_space<vmem_shared>> -> memref<64x128xf32, #tpu.memory_space<vmem_shared>>
        tpu.wait_dma2 semaphore(%run_scoped3A : memref<!tpu.dma_semaphore, #tpu.memory_space<semaphore_mem>>) src(%arg8 : memref<64x128xf32, #tpu.memory_space<vmem>>) dst(%dma_wait3A_34 : memref<64x128xf32, #tpu.memory_space<vmem_shared>>)
        tpu.yield
      }) : () -> ()
    }
    %scan3A_10 = arith.constant 10 : i32
    %barrier3A = arith.constant 0 : index
    tpu.barrier barrier_id(%barrier3A)
    %scan3A_11 = arith.constant 0 : i32
    %scan3A_12 = arith.constant 4 : i32
    %scan3A_13 = arith.addi %scan3A_11, %scan3A_12 : i32
    %scan3A_14 = arith.constant 1 : i32
    scf.for %scan3A_21 = %scan3A_11 to %scan3A_13 step %scan3A_14  : i32 {
      %mul3A_22 = arith.constant 1 : i32
      %mul3A_23 = arith.muli %scan3A_21, %mul3A_22 : i32
      %add3A_24 = arith.constant 0 : i32
      %add3A_25 = arith.addi %add3A_24, %mul3A_23 : i32
      %mul3A_26 = arith.constant 40 : i32
      %mul3A_27 = arith.muli %add3A_25, %mul3A_26 : i32
      "tpu.region"() ({
        %run_scoped3A = tpu.sem_alloc : memref<!tpu.dma_semaphore, #tpu.memory_space<semaphore_mem>>
        %dma_start3A_62 = arith.constant 0 : i32
        %dma_start3A_63 = tpu.memref_slice %arg3[%add3A, %mul3A_27, %dma_start3A_62] : memref<32x160x64xi32, #tpu.memory_space<hbm>> -> memref<1x40x64xi32, #tpu.memory_space<hbm>>
        %dma_start3A_64 = tpu.memref_squeeze %dma_start3A_63 : memref<1x40x64xi32, #tpu.memory_space<hbm>> -> memref<40x64xi32, #tpu.memory_space<hbm>>
        %dma_start3A_65 = arith.constant 0 : i32
        %dma_start3A_66 = tpu.memref_slice %arg3[%add3A, %mul3A_27, %dma_start3A_65] : memref<32x160x64xi32, #tpu.memory_space<hbm>> -> memref<1x40x64xi32, #tpu.memory_space<hbm>>
        %dma_start3A_67 = tpu.memref_squeeze %dma_start3A_66 : memref<1x40x64xi32, #tpu.memory_space<hbm>> -> memref<40x64xi32, #tpu.memory_space<hbm>>
        tpu.enqueue_dma source(%dma_start3A_67 : memref<40x64xi32, #tpu.memory_space<hbm>>) target(%arg6 : memref<40x64xi32, #tpu.memory_space<vmem>>) target_semaphore(%run_scoped3A : memref<!tpu.dma_semaphore, #tpu.memory_space<semaphore_mem>>)
        %dma_wait3A = arith.constant 0 : i32
        %dma_wait3A_68 = tpu.memref_slice %arg3[%add3A, %mul3A_27, %dma_wait3A] : memref<32x160x64xi32, #tpu.memory_space<hbm>> -> memref<1x40x64xi32, #tpu.memory_space<hbm>>
        %dma_wait3A_69 = tpu.memref_squeeze %dma_wait3A_68 : memref<1x40x64xi32, #tpu.memory_space<hbm>> -> memref<40x64xi32, #tpu.memory_space<hbm>>
        %dma_wait3A_70 = arith.constant 0 : i32
        %dma_wait3A_71 = tpu.memref_slice %arg3[%add3A, %mul3A_27, %dma_wait3A_70] : memref<32x160x64xi32, #tpu.memory_space<hbm>> -> memref<1x40x64xi32, #tpu.memory_space<hbm>>
        %dma_wait3A_72 = tpu.memref_squeeze %dma_wait3A_71 : memref<1x40x64xi32, #tpu.memory_space<hbm>> -> memref<40x64xi32, #tpu.memory_space<hbm>>
        tpu.wait_dma2 semaphore(%run_scoped3A : memref<!tpu.dma_semaphore, #tpu.memory_space<semaphore_mem>>) src(%dma_wait3A_72 : memref<40x64xi32, #tpu.memory_space<hbm>>) dst(%arg6 : memref<40x64xi32, #tpu.memory_space<vmem>>)
        tpu.yield
      }) : () -> ()
      %mul3A_28 = arith.constant 40 : i32
      %mul3A_29 = arith.muli %add3A_25, %mul3A_28 : i32
      "tpu.region"() ({
        %run_scoped3A = tpu.sem_alloc : memref<!tpu.dma_semaphore, #tpu.memory_space<semaphore_mem>>
        %dma_start3A_62 = arith.constant 0 : i32
        %dma_start3A_63 = tpu.memref_slice %arg4[%add3A, %mul3A_29, %dma_start3A_62] : memref<32x160x64xi32, #tpu.memory_space<hbm>> -> memref<1x40x64xi32, #tpu.memory_space<hbm>>
        %dma_start3A_64 = tpu.memref_squeeze %dma_start3A_63 : memref<1x40x64xi32, #tpu.memory_space<hbm>> -> memref<40x64xi32, #tpu.memory_space<hbm>>
        %dma_start3A_65 = arith.constant 0 : i32
        %dma_start3A_66 = tpu.memref_slice %arg4[%add3A, %mul3A_29, %dma_start3A_65] : memref<32x160x64xi32, #tpu.memory_space<hbm>> -> memref<1x40x64xi32, #tpu.memory_space<hbm>>
        %dma_start3A_67 = tpu.memref_squeeze %dma_start3A_66 : memref<1x40x64xi32, #tpu.memory_space<hbm>> -> memref<40x64xi32, #tpu.memory_space<hbm>>
        tpu.enqueue_dma source(%dma_start3A_67 : memref<40x64xi32, #tpu.memory_space<hbm>>) target(%arg7 : memref<40x64xi32, #tpu.memory_space<vmem>>) target_semaphore(%run_scoped3A : memref<!tpu.dma_semaphore, #tpu.memory_space<semaphore_mem>>)
        %dma_wait3A = arith.constant 0 : i32
        %dma_wait3A_68 = tpu.memref_slice %arg4[%add3A, %mul3A_29, %dma_wait3A] : memref<32x160x64xi32, #tpu.memory_space<hbm>> -> memref<1x40x64xi32, #tpu.memory_space<hbm>>
        %dma_wait3A_69 = tpu.memref_squeeze %dma_wait3A_68 : memref<1x40x64xi32, #tpu.memory_space<hbm>> -> memref<40x64xi32, #tpu.memory_space<hbm>>
        %dma_wait3A_70 = arith.constant 0 : i32
        %dma_wait3A_71 = tpu.memref_slice %arg4[%add3A, %mul3A_29, %dma_wait3A_70] : memref<32x160x64xi32, #tpu.memory_space<hbm>> -> memref<1x40x64xi32, #tpu.memory_space<hbm>>
        %dma_wait3A_72 = tpu.memref_squeeze %dma_wait3A_71 : memref<1x40x64xi32, #tpu.memory_space<hbm>> -> memref<40x64xi32, #tpu.memory_space<hbm>>
        tpu.wait_dma2 semaphore(%run_scoped3A : memref<!tpu.dma_semaphore, #tpu.memory_space<semaphore_mem>>) src(%dma_wait3A_72 : memref<40x64xi32, #tpu.memory_space<hbm>>) dst(%arg7 : memref<40x64xi32, #tpu.memory_space<vmem>>)
        tpu.yield
      }) : () -> ()
      %dma_start3A = arith.constant 0 : i32
      %dma_start3A_30 = arith.constant 0 : i32
      %dma_start3A_31 = tpu.memref_slice %arg6[%dma_start3A, %dma_start3A_30] : memref<40x64xi32, #tpu.memory_space<vmem>> -> memref<1x64xi32, #tpu.memory_space<vmem>>
      %dma_start3A_32 = tpu.memref_squeeze %dma_start3A_31 : memref<1x64xi32, #tpu.memory_space<vmem>> -> memref<64xi32, #tpu.memory_space<vmem>>
      %dma_start3A_33 = arith.constant 0 : i32
      %dma_start3A_34 = arith.constant 0 : i32
      %dma_start3A_35 = tpu.memref_slice %arg2[%dma_start3A_33, %dma_start3A_34] : memref<10240x128xf32, #tpu.memory_space<hbm>> -> memref<10240x128xf32, #tpu.memory_space<hbm>>
      tpu.enqueue_indirect_dma source(%dma_start3A_35 : memref<10240x128xf32, #tpu.memory_space<hbm>>) target(%arg8 : memref<64x128xf32, #tpu.memory_space<vmem>>) offsets(%dma_start3A_32 : memref<64xi32, #tpu.memory_space<vmem>>) semaphore(%arg13 : memref<!tpu.dma_semaphore, #tpu.memory_space<semaphore_mem>>)
      %dma_start3A_36 = arith.constant 1 : i32
      %dma_start3A_37 = arith.constant 0 : i32
      %dma_start3A_38 = tpu.memref_slice %arg6[%dma_start3A_36, %dma_start3A_37] : memref<40x64xi32, #tpu.memory_space<vmem>> -> memref<1x64xi32, #tpu.memory_space<vmem>>
      %dma_start3A_39 = tpu.memref_squeeze %dma_start3A_38 : memref<1x64xi32, #tpu.memory_space<vmem>> -> memref<64xi32, #tpu.memory_space<vmem>>
      %dma_start3A_40 = arith.constant 0 : i32
      %dma_start3A_41 = arith.constant 0 : i32
      %dma_start3A_42 = tpu.memref_slice %arg2[%dma_start3A_40, %dma_start3A_41] : memref<10240x128xf32, #tpu.memory_space<hbm>> -> memref<10240x128xf32, #tpu.memory_space<hbm>>
      tpu.enqueue_indirect_dma source(%dma_start3A_42 : memref<10240x128xf32, #tpu.memory_space<hbm>>) target(%arg9 : memref<64x128xf32, #tpu.memory_space<vmem>>) offsets(%dma_start3A_39 : memref<64xi32, #tpu.memory_space<vmem>>) semaphore(%arg14 : memref<!tpu.dma_semaphore, #tpu.memory_space<semaphore_mem>>)
      %dma_start3A_43 = arith.constant 2 : i32
      %dma_start3A_44 = arith.constant 0 : i32
      %dma_start3A_45 = tpu.memref_slice %arg6[%dma_start3A_43, %dma_start3A_44] : memref<40x64xi32, #tpu.memory_space<vmem>> -> memref<1x64xi32, #tpu.memory_space<vmem>>
      %dma_start3A_46 = tpu.memref_squeeze %dma_start3A_45 : memref<1x64xi32, #tpu.memory_space<vmem>> -> memref<64xi32, #tpu.memory_space<vmem>>
      %dma_start3A_47 = arith.constant 0 : i32
      %dma_start3A_48 = arith.constant 0 : i32
      %dma_start3A_49 = tpu.memref_slice %arg2[%dma_start3A_47, %dma_start3A_48] : memref<10240x128xf32, #tpu.memory_space<hbm>> -> memref<10240x128xf32, #tpu.memory_space<hbm>>
      tpu.enqueue_indirect_dma source(%dma_start3A_49 : memref<10240x128xf32, #tpu.memory_space<hbm>>) target(%arg10 : memref<64x128xf32, #tpu.memory_space<vmem>>) offsets(%dma_start3A_46 : memref<64xi32, #tpu.memory_space<vmem>>) semaphore(%arg15 : memref<!tpu.dma_semaphore, #tpu.memory_space<semaphore_mem>>)
      %dma_start3A_50 = arith.constant 3 : i32
      %dma_start3A_51 = arith.constant 0 : i32
      %dma_start3A_52 = tpu.memref_slice %arg6[%dma_start3A_50, %dma_start3A_51] : memref<40x64xi32, #tpu.memory_space<vmem>> -> memref<1x64xi32, #tpu.memory_space<vmem>>
      %dma_start3A_53 = tpu.memref_squeeze %dma_start3A_52 : memref<1x64xi32, #tpu.memory_space<vmem>> -> memref<64xi32, #tpu.memory_space<vmem>>
      %dma_start3A_54 = arith.constant 0 : i32
      %dma_start3A_55 = arith.constant 0 : i32
      %dma_start3A_56 = tpu.memref_slice %arg2[%dma_start3A_54, %dma_start3A_55] : memref<10240x128xf32, #tpu.memory_space<hbm>> -> memref<10240x128xf32, #tpu.memory_space<hbm>>
      tpu.enqueue_indirect_dma source(%dma_start3A_56 : memref<10240x128xf32, #tpu.memory_space<hbm>>) target(%arg11 : memref<64x128xf32, #tpu.memory_space<vmem>>) offsets(%dma_start3A_53 : memref<64xi32, #tpu.memory_space<vmem>>) semaphore(%arg16 : memref<!tpu.dma_semaphore, #tpu.memory_space<semaphore_mem>>)
      %scan3A_57 = arith.constant 0 : i32
      %scan3A_58 = arith.constant 10 : i32
      %scan3A_59 = arith.addi %scan3A_57, %scan3A_58 : i32
      %scan3A_60 = arith.constant 1 : i32
      scf.for %scan3A_62 = %scan3A_57 to %scan3A_59 step %scan3A_60  : i32 {
        %mul3A_63 = arith.constant 4 : i32
        %mul3A_64 = arith.muli %scan3A_62, %mul3A_63 : i32
        %add3A_65 = arith.constant 0 : i32
        %add3A_66 = arith.addi %add3A_65, %mul3A_64 : i32
        %add3A_67 = arith.constant 0 : i32
        %add3A_68 = arith.addi %add3A_66, %add3A_67 : i32
        %dma_wait3A = arith.constant 0 : i32
        %dma_wait3A_69 = tpu.memref_slice %arg6[%add3A_68, %dma_wait3A] : memref<40x64xi32, #tpu.memory_space<vmem>> -> memref<1x64xi32, #tpu.memory_space<vmem>>
        %dma_wait3A_70 = tpu.memref_squeeze %dma_wait3A_69 : memref<1x64xi32, #tpu.memory_space<vmem>> -> memref<64xi32, #tpu.memory_space<vmem>>
        %dma_wait3A_71 = arith.constant 0 : i32
        %dma_wait3A_72 = arith.constant 0 : i32
        %dma_wait3A_73 = tpu.memref_slice %arg2[%dma_wait3A_71, %dma_wait3A_72] : memref<10240x128xf32, #tpu.memory_space<hbm>> -> memref<10240x128xf32, #tpu.memory_space<hbm>>
        tpu.wait_indirect_dma semaphore(%arg13 : memref<!tpu.dma_semaphore, #tpu.memory_space<semaphore_mem>>) src(%dma_wait3A_73 : memref<10240x128xf32, #tpu.memory_space<hbm>>) dst(%arg8 : memref<64x128xf32, #tpu.memory_space<vmem>>)
        %add3A_74 = arith.constant 0 : i32
        %add3A_75 = arith.addi %add3A_66, %add3A_74 : i32
        %dma_start3A_76 = arith.constant 0 : i32
        %dma_start3A_77 = tpu.memref_slice %arg7[%add3A_75, %dma_start3A_76] : memref<40x64xi32, #tpu.memory_space<vmem>> -> memref<1x64xi32, #tpu.memory_space<vmem>>
        %dma_start3A_78 = tpu.memref_squeeze %dma_start3A_77 : memref<1x64xi32, #tpu.memory_space<vmem>> -> memref<64xi32, #tpu.memory_space<vmem>>
        %dma_start3A_79 = arith.constant 0 : i32
        %dma_start3A_80 = arith.constant 0 : i32
        %dma_start3A_81 = tpu.memref_slice %arg12[%dma_start3A_79, %dma_start3A_80] : memref<10240x128xf32, #tpu.memory_space<vmem_shared>> -> memref<10240x128xf32, #tpu.memory_space<vmem_shared>>
        tpu.enqueue_indirect_dma source(%arg8 : memref<64x128xf32, #tpu.memory_space<vmem>>) target(%dma_start3A_81 : memref<10240x128xf32, #tpu.memory_space<vmem_shared>>) offsets(%dma_start3A_78 : memref<64xi32, #tpu.memory_space<vmem>>) semaphore(%arg17 : memref<!tpu.dma_semaphore, #tpu.memory_space<semaphore_mem>>) {add = true}
        %add3A_82 = arith.constant 1 : i32
        %add3A_83 = arith.addi %add3A_66, %add3A_82 : i32
        %dma_wait3A_84 = arith.constant 0 : i32
        %dma_wait3A_85 = tpu.memref_slice %arg6[%add3A_83, %dma_wait3A_84] : memref<40x64xi32, #tpu.memory_space<vmem>> -> memref<1x64xi32, #tpu.memory_space<vmem>>
        %dma_wait3A_86 = tpu.memref_squeeze %dma_wait3A_85 : memref<1x64xi32, #tpu.memory_space<vmem>> -> memref<64xi32, #tpu.memory_space<vmem>>
        %dma_wait3A_87 = arith.constant 0 : i32
        %dma_wait3A_88 = arith.constant 0 : i32
        %dma_wait3A_89 = tpu.memref_slice %arg2[%dma_wait3A_87, %dma_wait3A_88] : memref<10240x128xf32, #tpu.memory_space<hbm>> -> memref<10240x128xf32, #tpu.memory_space<hbm>>
        tpu.wait_indirect_dma semaphore(%arg14 : memref<!tpu.dma_semaphore, #tpu.memory_space<semaphore_mem>>) src(%dma_wait3A_89 : memref<10240x128xf32, #tpu.memory_space<hbm>>) dst(%arg9 : memref<64x128xf32, #tpu.memory_space<vmem>>)
        %add3A_90 = arith.constant 1 : i32
        %add3A_91 = arith.addi %add3A_66, %add3A_90 : i32
        %dma_start3A_92 = arith.constant 0 : i32
        %dma_start3A_93 = tpu.memref_slice %arg7[%add3A_91, %dma_start3A_92] : memref<40x64xi32, #tpu.memory_space<vmem>> -> memref<1x64xi32, #tpu.memory_space<vmem>>
        %dma_start3A_94 = tpu.memref_squeeze %dma_start3A_93 : memref<1x64xi32, #tpu.memory_space<vmem>> -> memref<64xi32, #tpu.memory_space<vmem>>
        %dma_start3A_95 = arith.constant 0 : i32
        %dma_start3A_96 = arith.constant 0 : i32
        %dma_start3A_97 = tpu.memref_slice %arg12[%dma_start3A_95, %dma_start3A_96] : memref<10240x128xf32, #tpu.memory_space<vmem_shared>> -> memref<10240x128xf32, #tpu.memory_space<vmem_shared>>
        tpu.enqueue_indirect_dma source(%arg9 : memref<64x128xf32, #tpu.memory_space<vmem>>) target(%dma_start3A_97 : memref<10240x128xf32, #tpu.memory_space<vmem_shared>>) offsets(%dma_start3A_94 : memref<64xi32, #tpu.memory_space<vmem>>) semaphore(%arg18 : memref<!tpu.dma_semaphore, #tpu.memory_space<semaphore_mem>>) {add = true}
        %add3A_98 = arith.constant 2 : i32
        %add3A_99 = arith.addi %add3A_66, %add3A_98 : i32
        %dma_wait3A_100 = arith.constant 0 : i32
        %dma_wait3A_101 = tpu.memref_slice %arg6[%add3A_99, %dma_wait3A_100] : memref<40x64xi32, #tpu.memory_space<vmem>> -> memref<1x64xi32, #tpu.memory_space<vmem>>
        %dma_wait3A_102 = tpu.memref_squeeze %dma_wait3A_101 : memref<1x64xi32, #tpu.memory_space<vmem>> -> memref<64xi32, #tpu.memory_space<vmem>>
        %dma_wait3A_103 = arith.constant 0 : i32
        %dma_wait3A_104 = arith.constant 0 : i32
        %dma_wait3A_105 = tpu.memref_slice %arg2[%dma_wait3A_103, %dma_wait3A_104] : memref<10240x128xf32, #tpu.memory_space<hbm>> -> memref<10240x128xf32, #tpu.memory_space<hbm>>
        tpu.wait_indirect_dma semaphore(%arg15 : memref<!tpu.dma_semaphore, #tpu.memory_space<semaphore_mem>>) src(%dma_wait3A_105 : memref<10240x128xf32, #tpu.memory_space<hbm>>) dst(%arg10 : memref<64x128xf32, #tpu.memory_space<vmem>>)
        %add3A_106 = arith.constant 2 : i32
        %add3A_107 = arith.addi %add3A_66, %add3A_106 : i32
        %dma_start3A_108 = arith.constant 0 : i32
        %dma_start3A_109 = tpu.memref_slice %arg7[%add3A_107, %dma_start3A_108] : memref<40x64xi32, #tpu.memory_space<vmem>> -> memref<1x64xi32, #tpu.memory_space<vmem>>
        %dma_start3A_110 = tpu.memref_squeeze %dma_start3A_109 : memref<1x64xi32, #tpu.memory_space<vmem>> -> memref<64xi32, #tpu.memory_space<vmem>>
        %dma_start3A_111 = arith.constant 0 : i32
        %dma_start3A_112 = arith.constant 0 : i32
        %dma_start3A_113 = tpu.memref_slice %arg12[%dma_start3A_111, %dma_start3A_112] : memref<10240x128xf32, #tpu.memory_space<vmem_shared>> -> memref<10240x128xf32, #tpu.memory_space<vmem_shared>>
        tpu.enqueue_indirect_dma source(%arg10 : memref<64x128xf32, #tpu.memory_space<vmem>>) target(%dma_start3A_113 : memref<10240x128xf32, #tpu.memory_space<vmem_shared>>) offsets(%dma_start3A_110 : memref<64xi32, #tpu.memory_space<vmem>>) semaphore(%arg19 : memref<!tpu.dma_semaphore, #tpu.memory_space<semaphore_mem>>) {add = true}
        %dma_wait3A_114 = arith.constant 0 : i32
        %dma_wait3A_115 = tpu.memref_slice %arg7[%add3A_75, %dma_wait3A_114] : memref<40x64xi32, #tpu.memory_space<vmem>> -> memref<1x64xi32, #tpu.memory_space<vmem>>
        %dma_wait3A_116 = tpu.memref_squeeze %dma_wait3A_115 : memref<1x64xi32, #tpu.memory_space<vmem>> -> memref<64xi32, #tpu.memory_space<vmem>>
        %dma_wait3A_117 = arith.constant 0 : i32
        %dma_wait3A_118 = arith.constant 0 : i32
        %dma_wait3A_119 = tpu.memref_slice %arg12[%dma_wait3A_117, %dma_wait3A_118] : memref<10240x128xf32, #tpu.memory_space<vmem_shared>> -> memref<10240x128xf32, #tpu.memory_space<vmem_shared>>
        tpu.wait_indirect_dma semaphore(%arg17 : memref<!tpu.dma_semaphore, #tpu.memory_space<semaphore_mem>>) src(%arg8 : memref<64x128xf32, #tpu.memory_space<vmem>>) dst(%dma_wait3A_119 : memref<10240x128xf32, #tpu.memory_space<vmem_shared>>)
        %add3A_120 = arith.constant 4 : i32
        %add3A_121 = arith.addi %add3A_66, %add3A_120 : i32
        %add3A_122 = arith.constant 0 : i32
        %add3A_123 = arith.addi %add3A_121, %add3A_122 : i32
        %lt3A = arith.constant 40 : i32
        %lt3A_124 = arith.cmpi slt, %add3A_123, %lt3A : i32
        %convert_element_type3A = arith.extui %lt3A_124 : i1 to i32
        %cond3A = arith.constant 0 : i32
        %cond3A_125 = arith.cmpi ne, %convert_element_type3A, %cond3A : i32
        scf.if %cond3A_125 {
          %add3A_187 = arith.constant 4 : i32
          %add3A_188 = arith.addi %add3A_66, %add3A_187 : i32
          %add3A_189 = arith.constant 0 : i32
          %add3A_190 = arith.addi %add3A_188, %add3A_189 : i32
          %dma_start3A_191 = arith.constant 0 : i32
          %dma_start3A_192 = tpu.memref_slice %arg6[%add3A_190, %dma_start3A_191] : memref<40x64xi32, #tpu.memory_space<vmem>> -> memref<1x64xi32, #tpu.memory_space<vmem>>
          %dma_start3A_193 = tpu.memref_squeeze %dma_start3A_192 : memref<1x64xi32, #tpu.memory_space<vmem>> -> memref<64xi32, #tpu.memory_space<vmem>>
          %dma_start3A_194 = arith.constant 0 : i32
          %dma_start3A_195 = arith.constant 0 : i32
          %dma_start3A_196 = tpu.memref_slice %arg2[%dma_start3A_194, %dma_start3A_195] : memref<10240x128xf32, #tpu.memory_space<hbm>> -> memref<10240x128xf32, #tpu.memory_space<hbm>>
          tpu.enqueue_indirect_dma source(%dma_start3A_196 : memref<10240x128xf32, #tpu.memory_space<hbm>>) target(%arg8 : memref<64x128xf32, #tpu.memory_space<vmem>>) offsets(%dma_start3A_193 : memref<64xi32, #tpu.memory_space<vmem>>) semaphore(%arg13 : memref<!tpu.dma_semaphore, #tpu.memory_space<semaphore_mem>>)
        } else {
        }
        %add3A_126 = arith.constant 3 : i32
        %add3A_127 = arith.addi %add3A_66, %add3A_126 : i32
        %dma_wait3A_128 = arith.constant 0 : i32
        %dma_wait3A_129 = tpu.memref_slice %arg6[%add3A_127, %dma_wait3A_128] : memref<40x64xi32, #tpu.memory_space<vmem>> -> memref<1x64xi32, #tpu.memory_space<vmem>>
        %dma_wait3A_130 = tpu.memref_squeeze %dma_wait3A_129 : memref<1x64xi32, #tpu.memory_space<vmem>> -> memref<64xi32, #tpu.memory_space<vmem>>
        %dma_wait3A_131 = arith.constant 0 : i32
        %dma_wait3A_132 = arith.constant 0 : i32
        %dma_wait3A_133 = tpu.memref_slice %arg2[%dma_wait3A_131, %dma_wait3A_132] : memref<10240x128xf32, #tpu.memory_space<hbm>> -> memref<10240x128xf32, #tpu.memory_space<hbm>>
        tpu.wait_indirect_dma semaphore(%arg16 : memref<!tpu.dma_semaphore, #tpu.memory_space<semaphore_mem>>) src(%dma_wait3A_133 : memref<10240x128xf32, #tpu.memory_space<hbm>>) dst(%arg11 : memref<64x128xf32, #tpu.memory_space<vmem>>)
        %add3A_134 = arith.constant 3 : i32
        %add3A_135 = arith.addi %add3A_66, %add3A_134 : i32
        %dma_start3A_136 = arith.constant 0 : i32
        %dma_start3A_137 = tpu.memref_slice %arg7[%add3A_135, %dma_start3A_136] : memref<40x64xi32, #tpu.memory_space<vmem>> -> memref<1x64xi32, #tpu.memory_space<vmem>>
        %dma_start3A_138 = tpu.memref_squeeze %dma_start3A_137 : memref<1x64xi32, #tpu.memory_space<vmem>> -> memref<64xi32, #tpu.memory_space<vmem>>
        %dma_start3A_139 = arith.constant 0 : i32
        %dma_start3A_140 = arith.constant 0 : i32
        %dma_start3A_141 = tpu.memref_slice %arg12[%dma_start3A_139, %dma_start3A_140] : memref<10240x128xf32, #tpu.memory_space<vmem_shared>> -> memref<10240x128xf32, #tpu.memory_space<vmem_shared>>
        tpu.enqueue_indirect_dma source(%arg11 : memref<64x128xf32, #tpu.memory_space<vmem>>) target(%dma_start3A_141 : memref<10240x128xf32, #tpu.memory_space<vmem_shared>>) offsets(%dma_start3A_138 : memref<64xi32, #tpu.memory_space<vmem>>) semaphore(%arg20 : memref<!tpu.dma_semaphore, #tpu.memory_space<semaphore_mem>>) {add = true}
        %dma_wait3A_142 = arith.constant 0 : i32
        %dma_wait3A_143 = tpu.memref_slice %arg7[%add3A_91, %dma_wait3A_142] : memref<40x64xi32, #tpu.memory_space<vmem>> -> memref<1x64xi32, #tpu.memory_space<vmem>>
        %dma_wait3A_144 = tpu.memref_squeeze %dma_wait3A_143 : memref<1x64xi32, #tpu.memory_space<vmem>> -> memref<64xi32, #tpu.memory_space<vmem>>
        %dma_wait3A_145 = arith.constant 0 : i32
        %dma_wait3A_146 = arith.constant 0 : i32
        %dma_wait3A_147 = tpu.memref_slice %arg12[%dma_wait3A_145, %dma_wait3A_146] : memref<10240x128xf32, #tpu.memory_space<vmem_shared>> -> memref<10240x128xf32, #tpu.memory_space<vmem_shared>>
        tpu.wait_indirect_dma semaphore(%arg18 : memref<!tpu.dma_semaphore, #tpu.memory_space<semaphore_mem>>) src(%arg9 : memref<64x128xf32, #tpu.memory_space<vmem>>) dst(%dma_wait3A_147 : memref<10240x128xf32, #tpu.memory_space<vmem_shared>>)
        %add3A_148 = arith.constant 4 : i32
        %add3A_149 = arith.addi %add3A_66, %add3A_148 : i32
        %add3A_150 = arith.constant 1 : i32
        %add3A_151 = arith.addi %add3A_149, %add3A_150 : i32
        %lt3A_152 = arith.constant 40 : i32
        %lt3A_153 = arith.cmpi slt, %add3A_151, %lt3A_152 : i32
        %convert_element_type3A_154 = arith.extui %lt3A_153 : i1 to i32
        %cond3A_155 = arith.constant 0 : i32
        %cond3A_156 = arith.cmpi ne, %convert_element_type3A_154, %cond3A_155 : i32
        scf.if %cond3A_156 {
          %add3A_187 = arith.constant 4 : i32
          %add3A_188 = arith.addi %add3A_66, %add3A_187 : i32
          %add3A_189 = arith.constant 1 : i32
          %add3A_190 = arith.addi %add3A_188, %add3A_189 : i32
          %dma_start3A_191 = arith.constant 0 : i32
          %dma_start3A_192 = tpu.memref_slice %arg6[%add3A_190, %dma_start3A_191] : memref<40x64xi32, #tpu.memory_space<vmem>> -> memref<1x64xi32, #tpu.memory_space<vmem>>
          %dma_start3A_193 = tpu.memref_squeeze %dma_start3A_192 : memref<1x64xi32, #tpu.memory_space<vmem>> -> memref<64xi32, #tpu.memory_space<vmem>>
          %dma_start3A_194 = arith.constant 0 : i32
          %dma_start3A_195 = arith.constant 0 : i32
          %dma_start3A_196 = tpu.memref_slice %arg2[%dma_start3A_194, %dma_start3A_195] : memref<10240x128xf32, #tpu.memory_space<hbm>> -> memref<10240x128xf32, #tpu.memory_space<hbm>>
          tpu.enqueue_indirect_dma source(%dma_start3A_196 : memref<10240x128xf32, #tpu.memory_space<hbm>>) target(%arg9 : memref<64x128xf32, #tpu.memory_space<vmem>>) offsets(%dma_start3A_193 : memref<64xi32, #tpu.memory_space<vmem>>) semaphore(%arg14 : memref<!tpu.dma_semaphore, #tpu.memory_space<semaphore_mem>>)
        } else {
        }
        %dma_wait3A_157 = arith.constant 0 : i32
        %dma_wait3A_158 = tpu.memref_slice %arg7[%add3A_107, %dma_wait3A_157] : memref<40x64xi32, #tpu.memory_space<vmem>> -> memref<1x64xi32, #tpu.memory_space<vmem>>
        %dma_wait3A_159 = tpu.memref_squeeze %dma_wait3A_158 : memref<1x64xi32, #tpu.memory_space<vmem>> -> memref<64xi32, #tpu.memory_space<vmem>>
        %dma_wait3A_160 = arith.constant 0 : i32
        %dma_wait3A_161 = arith.constant 0 : i32
        %dma_wait3A_162 = tpu.memref_slice %arg12[%dma_wait3A_160, %dma_wait3A_161] : memref<10240x128xf32, #tpu.memory_space<vmem_shared>> -> memref<10240x128xf32, #tpu.memory_space<vmem_shared>>
        tpu.wait_indirect_dma semaphore(%arg19 : memref<!tpu.dma_semaphore, #tpu.memory_space<semaphore_mem>>) src(%arg10 : memref<64x128xf32, #tpu.memory_space<vmem>>) dst(%dma_wait3A_162 : memref<10240x128xf32, #tpu.memory_space<vmem_shared>>)
        %add3A_163 = arith.constant 4 : i32
        %add3A_164 = arith.addi %add3A_66, %add3A_163 : i32
        %add3A_165 = arith.constant 2 : i32
        %add3A_166 = arith.addi %add3A_164, %add3A_165 : i32
        %lt3A_167 = arith.constant 40 : i32
        %lt3A_168 = arith.cmpi slt, %add3A_166, %lt3A_167 : i32
        %convert_element_type3A_169 = arith.extui %lt3A_168 : i1 to i32
        %cond3A_170 = arith.constant 0 : i32
        %cond3A_171 = arith.cmpi ne, %convert_element_type3A_169, %cond3A_170 : i32
        scf.if %cond3A_171 {
          %add3A_187 = arith.constant 4 : i32
          %add3A_188 = arith.addi %add3A_66, %add3A_187 : i32
          %add3A_189 = arith.constant 2 : i32
          %add3A_190 = arith.addi %add3A_188, %add3A_189 : i32
          %dma_start3A_191 = arith.constant 0 : i32
          %dma_start3A_192 = tpu.memref_slice %arg6[%add3A_190, %dma_start3A_191] : memref<40x64xi32, #tpu.memory_space<vmem>> -> memref<1x64xi32, #tpu.memory_space<vmem>>
          %dma_start3A_193 = tpu.memref_squeeze %dma_start3A_192 : memref<1x64xi32, #tpu.memory_space<vmem>> -> memref<64xi32, #tpu.memory_space<vmem>>
          %dma_start3A_194 = arith.constant 0 : i32
          %dma_start3A_195 = arith.constant 0 : i32
          %dma_start3A_196 = tpu.memref_slice %arg2[%dma_start3A_194, %dma_start3A_195] : memref<10240x128xf32, #tpu.memory_space<hbm>> -> memref<10240x128xf32, #tpu.memory_space<hbm>>
          tpu.enqueue_indirect_dma source(%dma_start3A_196 : memref<10240x128xf32, #tpu.memory_space<hbm>>) target(%arg10 : memref<64x128xf32, #tpu.memory_space<vmem>>) offsets(%dma_start3A_193 : memref<64xi32, #tpu.memory_space<vmem>>) semaphore(%arg15 : memref<!tpu.dma_semaphore, #tpu.memory_space<semaphore_mem>>)
        } else {
        }
        %dma_wait3A_172 = arith.constant 0 : i32
        %dma_wait3A_173 = tpu.memref_slice %arg7[%add3A_135, %dma_wait3A_172] : memref<40x64xi32, #tpu.memory_space<vmem>> -> memref<1x64xi32, #tpu.memory_space<vmem>>
        %dma_wait3A_174 = tpu.memref_squeeze %dma_wait3A_173 : memref<1x64xi32, #tpu.memory_space<vmem>> -> memref<64xi32, #tpu.memory_space<vmem>>
        %dma_wait3A_175 = arith.constant 0 : i32
        %dma_wait3A_176 = arith.constant 0 : i32
        %dma_wait3A_177 = tpu.memref_slice %arg12[%dma_wait3A_175, %dma_wait3A_176] : memref<10240x128xf32, #tpu.memory_space<vmem_shared>> -> memref<10240x128xf32, #tpu.memory_space<vmem_shared>>
        tpu.wait_indirect_dma semaphore(%arg20 : memref<!tpu.dma_semaphore, #tpu.memory_space<semaphore_mem>>) src(%arg11 : memref<64x128xf32, #tpu.memory_space<vmem>>) dst(%dma_wait3A_177 : memref<10240x128xf32, #tpu.memory_space<vmem_shared>>)
        %add3A_178 = arith.constant 4 : i32
        %add3A_179 = arith.addi %add3A_66, %add3A_178 : i32
        %add3A_180 = arith.constant 3 : i32
        %add3A_181 = arith.addi %add3A_179, %add3A_180 : i32
        %lt3A_182 = arith.constant 40 : i32
        %lt3A_183 = arith.cmpi slt, %add3A_181, %lt3A_182 : i32
        %convert_element_type3A_184 = arith.extui %lt3A_183 : i1 to i32
        %cond3A_185 = arith.constant 0 : i32
        %cond3A_186 = arith.cmpi ne, %convert_element_type3A_184, %cond3A_185 : i32
        scf.if %cond3A_186 {
          %add3A_187 = arith.constant 4 : i32
          %add3A_188 = arith.addi %add3A_66, %add3A_187 : i32
          %add3A_189 = arith.constant 3 : i32
          %add3A_190 = arith.addi %add3A_188, %add3A_189 : i32
          %dma_start3A_191 = arith.constant 0 : i32
          %dma_start3A_192 = tpu.memref_slice %arg6[%add3A_190, %dma_start3A_191] : memref<40x64xi32, #tpu.memory_space<vmem>> -> memref<1x64xi32, #tpu.memory_space<vmem>>
          %dma_start3A_193 = tpu.memref_squeeze %dma_start3A_192 : memref<1x64xi32, #tpu.memory_space<vmem>> -> memref<64xi32, #tpu.memory_space<vmem>>
          %dma_start3A_194 = arith.constant 0 : i32
          %dma_start3A_195 = arith.constant 0 : i32
          %dma_start3A_196 = tpu.memref_slice %arg2[%dma_start3A_194, %dma_start3A_195] : memref<10240x128xf32, #tpu.memory_space<hbm>> -> memref<10240x128xf32, #tpu.memory_space<hbm>>
          tpu.enqueue_indirect_dma source(%dma_start3A_196 : memref<10240x128xf32, #tpu.memory_space<hbm>>) target(%arg11 : memref<64x128xf32, #tpu.memory_space<vmem>>) offsets(%dma_start3A_193 : memref<64xi32, #tpu.memory_space<vmem>>) semaphore(%arg16 : memref<!tpu.dma_semaphore, #tpu.memory_space<semaphore_mem>>)
        } else {
        }
      }
      %scan3A_61 = arith.constant 10 : i32
    }
    %scan3A_15 = arith.constant 4 : i32
    %barrier3A_16 = arith.constant 0 : index
    tpu.barrier barrier_id(%barrier3A_16)
    %mul3A_17 = arith.constant 640 : i32
    %mul3A_18 = arith.muli %arg1, %mul3A_17 : i32
    %mul3A_19 = arith.constant 640 : i32
    %mul3A_20 = arith.muli %arg1, %mul3A_19 : i32
    "tpu.region"() ({
      %run_scoped3A = tpu.sem_alloc : memref<!tpu.dma_semaphore, #tpu.memory_space<semaphore_mem>>
      %dma_start3A = arith.constant 0 : i32
      %dma_start3A_21 = tpu.memref_slice %arg5[%arg0, %mul3A_20, %dma_start3A] : memref<2x10240x128xf32, #tpu.memory_space<hbm>> -> memref<1x640x128xf32, #tpu.memory_space<hbm>>
      %dma_start3A_22 = tpu.memref_squeeze %dma_start3A_21 : memref<1x640x128xf32, #tpu.memory_space<hbm>> -> memref<640x128xf32, #tpu.memory_space<hbm>>
      %dma_start3A_23 = arith.constant 0 : i32
      %dma_start3A_24 = tpu.memref_slice %arg12[%mul3A_18, %dma_start3A_23] : memref<10240x128xf32, #tpu.memory_space<vmem_shared>> -> memref<640x128xf32, #tpu.memory_space<vmem_shared>>
      tpu.enqueue_dma source(%dma_start3A_24 : memref<640x128xf32, #tpu.memory_space<vmem_shared>>) target(%dma_start3A_22 : memref<640x128xf32, #tpu.memory_space<hbm>>) target_semaphore(%run_scoped3A : memref<!tpu.dma_semaphore, #tpu.memory_space<semaphore_mem>>)
      %dma_wait3A = arith.constant 0 : i32
      %dma_wait3A_25 = tpu.memref_slice %arg5[%arg0, %mul3A_20, %dma_wait3A] : memref<2x10240x128xf32, #tpu.memory_space<hbm>> -> memref<1x640x128xf32, #tpu.memory_space<hbm>>
      %dma_wait3A_26 = tpu.memref_squeeze %dma_wait3A_25 : memref<1x640x128xf32, #tpu.memory_space<hbm>> -> memref<640x128xf32, #tpu.memory_space<hbm>>
      %dma_wait3A_27 = arith.constant 0 : i32
      %dma_wait3A_28 = tpu.memref_slice %arg12[%mul3A_18, %dma_wait3A_27] : memref<10240x128xf32, #tpu.memory_space<vmem_shared>> -> memref<640x128xf32, #tpu.memory_space<vmem_shared>>
      tpu.wait_dma2 semaphore(%run_scoped3A : memref<!tpu.dma_semaphore, #tpu.memory_space<semaphore_mem>>) src(%dma_wait3A_28 : memref<640x128xf32, #tpu.memory_space<vmem_shared>>) dst(%dma_wait3A_26 : memref<640x128xf32, #tpu.memory_space<hbm>>)
      tpu.yield
    }) : () -> ()
    return
  }
}

#map = affine_map<(d0, d1) -> (0, 0, 0)>
#map1 = affine_map<(d0, d1) -> (0, 0)>
module attributes {stable_mosaic.version = 14 : i64} {
  func.func @_deg_body(%arg0: i32, %arg1: i32, %arg2: memref<32x160x64xi32, #tpu.memory_space<hbm>>, %arg3: memref<32x10240xf32, #tpu.memory_space<hbm>>, %arg4: memref<160x64xi32, #tpu.memory_space<vmem>>, %arg5: memref<10240xf32, #tpu.memory_space<vmem>>) attributes {dimension_semantics = [#tpu.dimension_semantics<core_parallel>, #tpu.dimension_semantics<subcore_parallel>], iteration_bounds = array<i64: 2, 16>, scalar_prefetch = 0 : i64, scratch_operands = 2 : i64, tpu.core_type = #tpu.core_type<sc_vector_subcore>, window_params = [{transform_indices = #map}, {transform_indices = #map1}]} {
    %mul3A = arith.constant 16 : i32
    %mul3A_0 = arith.muli %arg0, %mul3A : i32
    %add3A = arith.addi %mul3A_0, %arg1 : i32
    %broadcast_in_dim3A = arith.constant 0.000000e+00 : f32
    %broadcast_in_dim3A_1 = vector.broadcast %broadcast_in_dim3A : f32 to vector<16xf32>
    %broadcast_in_dim3A_2 = arith.constant 1.000000e+00 : f32
    %broadcast_in_dim3A_3 = vector.broadcast %broadcast_in_dim3A_2 : f32 to vector<16xf32>
    %scan3A = arith.constant 0 : i32
    %scan3A_4 = arith.constant 640 : i32
    %scan3A_5 = arith.addi %scan3A, %scan3A_4 : i32
    %scan3A_6 = arith.constant 1 : i32
    scf.for %scan3A_13 = %scan3A to %scan3A_5 step %scan3A_6  : i32 {
      %mul3A_14 = arith.constant 16 : i32
      %mul3A_15 = arith.muli %scan3A_13, %mul3A_14 : i32
      %add3A_16 = arith.constant 0 : i32
      %add3A_17 = arith.addi %add3A_16, %mul3A_15 : i32
      %swap3A = arith.index_cast %add3A_17 : i32 to index
      %swap3A_18 = tpu.vector_load %arg5[%swap3A] {strides = array<i32>} : memref<10240xf32, #tpu.memory_space<vmem>>, vector<16xf32>,
      tpu.vector_store %arg5[%swap3A], %broadcast_in_dim3A_1 {strides = array<i32>} : memref<10240xf32, #tpu.memory_space<vmem>>, vector<16xf32>,
    }
    %scan3A_7 = arith.constant 640 : i32
    "tpu.region"() ({
      %run_scoped3A = tpu.sem_alloc : memref<!tpu.dma_semaphore, #tpu.memory_space<semaphore_mem>>
      %dma_start3A = arith.constant 0 : i32
      %dma_start3A_13 = arith.constant 0 : i32
      %dma_start3A_14 = tpu.memref_slice %arg2[%add3A, %dma_start3A, %dma_start3A_13] : memref<32x160x64xi32, #tpu.memory_space<hbm>> -> memref<1x160x64xi32, #tpu.memory_space<hbm>>
      %dma_start3A_15 = tpu.memref_squeeze %dma_start3A_14 : memref<1x160x64xi32, #tpu.memory_space<hbm>> -> memref<160x64xi32, #tpu.memory_space<hbm>>
      %dma_start3A_16 = arith.constant 0 : i32
      %dma_start3A_17 = arith.constant 0 : i32
      %dma_start3A_18 = tpu.memref_slice %arg2[%add3A, %dma_start3A_16, %dma_start3A_17] : memref<32x160x64xi32, #tpu.memory_space<hbm>> -> memref<1x160x64xi32, #tpu.memory_space<hbm>>
      %dma_start3A_19 = tpu.memref_squeeze %dma_start3A_18 : memref<1x160x64xi32, #tpu.memory_space<hbm>> -> memref<160x64xi32, #tpu.memory_space<hbm>>
      tpu.enqueue_dma source(%dma_start3A_19 : memref<160x64xi32, #tpu.memory_space<hbm>>) target(%arg4 : memref<160x64xi32, #tpu.memory_space<vmem>>) target_semaphore(%run_scoped3A : memref<!tpu.dma_semaphore, #tpu.memory_space<semaphore_mem>>)
      %dma_wait3A = arith.constant 0 : i32
      %dma_wait3A_20 = arith.constant 0 : i32
      %dma_wait3A_21 = tpu.memref_slice %arg2[%add3A, %dma_wait3A, %dma_wait3A_20] : memref<32x160x64xi32, #tpu.memory_space<hbm>> -> memref<1x160x64xi32, #tpu.memory_space<hbm>>
      %dma_wait3A_22 = tpu.memref_squeeze %dma_wait3A_21 : memref<1x160x64xi32, #tpu.memory_space<hbm>> -> memref<160x64xi32, #tpu.memory_space<hbm>>
      %dma_wait3A_23 = arith.constant 0 : i32
      %dma_wait3A_24 = arith.constant 0 : i32
      %dma_wait3A_25 = tpu.memref_slice %arg2[%add3A, %dma_wait3A_23, %dma_wait3A_24] : memref<32x160x64xi32, #tpu.memory_space<hbm>> -> memref<1x160x64xi32, #tpu.memory_space<hbm>>
      %dma_wait3A_26 = tpu.memref_squeeze %dma_wait3A_25 : memref<1x160x64xi32, #tpu.memory_space<hbm>> -> memref<160x64xi32, #tpu.memory_space<hbm>>
      tpu.wait_dma2 semaphore(%run_scoped3A : memref<!tpu.dma_semaphore, #tpu.memory_space<semaphore_mem>>) src(%dma_wait3A_26 : memref<160x64xi32, #tpu.memory_space<hbm>>) dst(%arg4 : memref<160x64xi32, #tpu.memory_space<vmem>>)
      tpu.yield
    }) : () -> ()
    %scan3A_8 = arith.constant 0 : i32
    %scan3A_9 = arith.constant 160 : i32
    %scan3A_10 = arith.addi %scan3A_8, %scan3A_9 : i32
    %scan3A_11 = arith.constant 1 : i32
    scf.for %scan3A_13 = %scan3A_8 to %scan3A_10 step %scan3A_11  : i32 {
      %mul3A_14 = arith.constant 1 : i32
      %mul3A_15 = arith.muli %scan3A_13, %mul3A_14 : i32
      %add3A_16 = arith.constant 0 : i32
      %add3A_17 = arith.addi %add3A_16, %mul3A_15 : i32
      %get3A = arith.index_cast %add3A_17 : i32 to index
      %get3A_18 = arith.constant 0 : index
      %get3A_19 = tpu.vector_load %arg4[%get3A, %get3A_18] {strides = array<i32>} : memref<160x64xi32, #tpu.memory_space<vmem>>, vector<16xi32>,
      tpu.vector_store_idx %arg5[%get3A_19], %broadcast_in_dim3A_3 {add = true} : memref<10240xf32, #tpu.memory_space<vmem>>[vector<16xi32>], vector<16xf32>,
      %get3A_20 = arith.index_cast %add3A_17 : i32 to index
      %get3A_21 = arith.constant 16 : index
      %get3A_22 = tpu.vector_load %arg4[%get3A_20, %get3A_21] {strides = array<i32>} : memref<160x64xi32, #tpu.memory_space<vmem>>, vector<16xi32>,
      tpu.vector_store_idx %arg5[%get3A_22], %broadcast_in_dim3A_3 {add = true} : memref<10240xf32, #tpu.memory_space<vmem>>[vector<16xi32>], vector<16xf32>,
      %get3A_23 = arith.index_cast %add3A_17 : i32 to index
      %get3A_24 = arith.constant 32 : index
      %get3A_25 = tpu.vector_load %arg4[%get3A_23, %get3A_24] {strides = array<i32>} : memref<160x64xi32, #tpu.memory_space<vmem>>, vector<16xi32>,
      tpu.vector_store_idx %arg5[%get3A_25], %broadcast_in_dim3A_3 {add = true} : memref<10240xf32, #tpu.memory_space<vmem>>[vector<16xi32>], vector<16xf32>,
      %get3A_26 = arith.index_cast %add3A_17 : i32 to index
      %get3A_27 = arith.constant 48 : index
      %get3A_28 = tpu.vector_load %arg4[%get3A_26, %get3A_27] {strides = array<i32>} : memref<160x64xi32, #tpu.memory_space<vmem>>, vector<16xi32>,
      tpu.vector_store_idx %arg5[%get3A_28], %broadcast_in_dim3A_3 {add = true} : memref<10240xf32, #tpu.memory_space<vmem>>[vector<16xi32>], vector<16xf32>,
    }
    %scan3A_12 = arith.constant 160 : i32
    "tpu.region"() ({
      %run_scoped3A = tpu.sem_alloc : memref<!tpu.dma_semaphore, #tpu.memory_space<semaphore_mem>>
      %dma_start3A = arith.constant 0 : i32
      %dma_start3A_13 = tpu.memref_slice %arg3[%add3A, %dma_start3A] : memref<32x10240xf32, #tpu.memory_space<hbm>> -> memref<1x10240xf32, #tpu.memory_space<hbm>>
      %dma_start3A_14 = tpu.memref_squeeze %dma_start3A_13 : memref<1x10240xf32, #tpu.memory_space<hbm>> -> memref<10240xf32, #tpu.memory_space<hbm>>
      %dma_start3A_15 = arith.constant 0 : i32
      %dma_start3A_16 = tpu.memref_slice %arg3[%add3A, %dma_start3A_15] : memref<32x10240xf32, #tpu.memory_space<hbm>> -> memref<1x10240xf32, #tpu.memory_space<hbm>>
      %dma_start3A_17 = tpu.memref_squeeze %dma_start3A_16 : memref<1x10240xf32, #tpu.memory_space<hbm>> -> memref<10240xf32, #tpu.memory_space<hbm>>
      tpu.enqueue_dma source(%arg5 : memref<10240xf32, #tpu.memory_space<vmem>>) target(%dma_start3A_17 : memref<10240xf32, #tpu.memory_space<hbm>>) target_semaphore(%run_scoped3A : memref<!tpu.dma_semaphore, #tpu.memory_space<semaphore_mem>>)
      %dma_wait3A = arith.constant 0 : i32
      %dma_wait3A_18 = tpu.memref_slice %arg3[%add3A, %dma_wait3A] : memref<32x10240xf32, #tpu.memory_space<hbm>> -> memref<1x10240xf32, #tpu.memory_space<hbm>>
      %dma_wait3A_19 = tpu.memref_squeeze %dma_wait3A_18 : memref<1x10240xf32, #tpu.memory_space<hbm>> -> memref<10240xf32, #tpu.memory_space<hbm>>
      %dma_wait3A_20 = arith.constant 0 : i32
      %dma_wait3A_21 = tpu.memref_slice %arg3[%add3A, %dma_wait3A_20] : memref<32x10240xf32, #tpu.memory_space<hbm>> -> memref<1x10240xf32, #tpu.memory_space<hbm>>
      %dma_wait3A_22 = tpu.memref_squeeze %dma_wait3A_21 : memref<1x10240xf32, #tpu.memory_space<hbm>> -> memref<10240xf32, #tpu.memory_space<hbm>>
      tpu.wait_dma2 semaphore(%run_scoped3A : memref<!tpu.dma_semaphore, #tpu.memory_space<semaphore_mem>>) src(%arg5 : memref<10240xf32, #tpu.memory_space<vmem>>) dst(%dma_wait3A_22 : memref<10240xf32, #tpu.memory_space<hbm>>)
      tpu.yield
    }) : () -> ()
    return
  }
}

module attributes {stable_mosaic.version = 14 : i64} {
  func.func @_mm1_body(%arg0: i32, %arg1: memref<2048x128xf32, #tpu.memory_space<vmem>>, %arg2: memref<128x128xf32, #tpu.memory_space<vmem>>, %arg3: memref<32x2048xf32, #tpu.memory_space<vmem>>, %arg4: memref<2048x128xf32, #tpu.memory_space<vmem>>) attributes {dimension_semantics = [#tpu.dimension_semantics<arbitrary>], iteration_bounds = array<i64: 5>, scalar_prefetch = 0 : i64, scratch_operands = 0 : i64, tpu.core_type = #tpu.core_type<tc>, window_params = [{transform_indices = @transform_0, window_bounds = array<i64: 2048, 128>}, {pipeline_mode = #tpu.pipeline_mode<synchronous>, transform_indices = @transform_1, window_bounds = array<i64: 128, 128>}, {transform_indices = @transform_2, window_bounds = array<i64: 32, 2048>}, {transform_indices = @transform_3, window_bounds = array<i64: 2048, 128>}]} {
    %get3A = arith.constant 0 : index
    %get3A_0 = arith.constant 0 : index
    %get3A_1 = vector.load %arg3[%get3A, %get3A_0] : memref<32x2048xf32, #tpu.memory_space<vmem>>, vector<32x2048xf32>
    %reduce_sum3A = arith.constant dense<0.000000e+00> : vector<2048xf32>
    %reduce_sum3A_2 = vector.multi_reduction <add>, %get3A_1, %reduce_sum3A [0] : vector<32x2048xf32> to vector<2048xf32>
    %add3A = arith.constant 1.000000e+00 : f32
    %add3A_3 = vector.broadcast %add3A : f32 to vector<2048xf32>
    %add3A_4 = arith.addf %reduce_sum3A_2, %add3A_3 : vector<2048xf32>
    %rsqrt3A = math.rsqrt %add3A_4 : vector<2048xf32>
    %get3A_5 = arith.constant 0 : index
    %get3A_6 = arith.constant 0 : index
    %get3A_7 = vector.load %arg1[%get3A_5, %get3A_6] : memref<2048x128xf32, #tpu.memory_space<vmem>>, vector<2048x128xf32>
    %get3A_8 = arith.constant 0 : index
    %get3A_9 = arith.constant 0 : index
    %get3A_10 = vector.load %arg2[%get3A_8, %get3A_9] : memref<128x128xf32, #tpu.memory_space<vmem>>, vector<128x128xf32>
    %dot_general3A = arith.constant dense<0.000000e+00> : vector<2048x128xf32>
    %dot_general3A_11 = tpu.matmul %get3A_7, %get3A_10, %dot_general3A {dimension_numbers = #tpu.dot_dimension_numbers<[1], [0], [0], [1], [0, 0, 1, 1], [], []>, transpose_lhs_hint = false} : vector<2048x128xf32>, vector<128x128xf32>, vector<2048x128xf32> -> vector<2048x128xf32>
    %broadcast_in_dim3A = vector.shape_cast %rsqrt3A : vector<2048xf32> to vector<2048x1xf32>
    %mul3A = vector.broadcast %broadcast_in_dim3A : vector<2048x1xf32> to vector<2048x128xf32>
    %mul3A_12 = arith.mulf %dot_general3A_11, %mul3A : vector<2048x128xf32>
    %swap3A = arith.constant 0 : index
    %swap3A_13 = arith.constant 0 : index
    %swap3A_14 = vector.load %arg4[%swap3A, %swap3A_13] : memref<2048x128xf32, #tpu.memory_space<vmem>>, vector<2048x128xf32>
    tpu.vector_store %arg4[%swap3A, %swap3A_13], %mul3A_12 {strides = array<i32>} : memref<2048x128xf32, #tpu.memory_space<vmem>>, vector<2048x128xf32>,
    return
  }
  func.func @transform_0(%arg0: i32) -> (i32, i32) {
    %c0_i32 = arith.constant 0 : i32
    %c0_i32_0 = arith.constant 0 : i32
    return %arg0, %c0_i32 : i32, i32
  }
  func.func @transform_1(%arg0: i32) -> (i32, i32) {
    %c0_i32 = arith.constant 0 : i32
    %c0_i32_0 = arith.constant 0 : i32
    %c0_i32_1 = arith.constant 0 : i32
    return %c0_i32, %c0_i32_0 : i32, i32
  }
  func.func @transform_2(%arg0: i32) -> (i32, i32) {
    %c0_i32 = arith.constant 0 : i32
    %c0_i32_0 = arith.constant 0 : i32
    return %c0_i32, %arg0 : i32, i32
  }
  func.func @transform_3(%arg0: i32) -> (i32, i32) {
    %c0_i32 = arith.constant 0 : i32
    %c0_i32_0 = arith.constant 0 : i32
    return %arg0, %c0_i32 : i32, i32
  }
}

module attributes {stable_mosaic.version = 14 : i64} {
  func.func @_mm2_body(%arg0: i32, %arg1: memref<2x2048x128xf32, #tpu.memory_space<vmem>>, %arg2: memref<2048x128xf32, #tpu.memory_space<vmem>>, %arg3: memref<32x2048xf32, #tpu.memory_space<vmem>>, %arg4: memref<1x128xf32, #tpu.memory_space<vmem>>, %arg5: memref<128x128xf32, #tpu.memory_space<vmem>>, %arg6: memref<2048x128xf32, #tpu.memory_space<vmem>>) attributes {dimension_semantics = [#tpu.dimension_semantics<arbitrary>], iteration_bounds = array<i64: 5>, scalar_prefetch = 0 : i64, scratch_operands = 0 : i64, tpu.core_type = #tpu.core_type<tc>, window_params = [{transform_indices = @transform_0, window_bounds = array<i64: 2, 2048, 128>}, {transform_indices = @transform_1, window_bounds = array<i64: 2048, 128>}, {transform_indices = @transform_2, window_bounds = array<i64: 32, 2048>}, {pipeline_mode = #tpu.pipeline_mode<synchronous>, transform_indices = @transform_3, window_bounds = array<i64: 1, 128>}, {pipeline_mode = #tpu.pipeline_mode<synchronous>, transform_indices = @transform_4, window_bounds = array<i64: 128, 128>}, {transform_indices = @transform_5, window_bounds = array<i64: 2048, 128>}]} {
    %get3A = arith.constant 0 : index
    %get3A_0 = arith.constant 0 : index
    %get3A_1 = vector.load %arg3[%get3A, %get3A_0] : memref<32x2048xf32, #tpu.memory_space<vmem>>, vector<32x2048xf32>
    %reduce_sum3A = arith.constant dense<0.000000e+00> : vector<2048xf32>
    %reduce_sum3A_2 = vector.multi_reduction <add>, %get3A_1, %reduce_sum3A [0] : vector<32x2048xf32> to vector<2048xf32>
    %add3A = arith.constant 1.000000e+00 : f32
    %add3A_3 = vector.broadcast %add3A : f32 to vector<2048xf32>
    %add3A_4 = arith.addf %reduce_sum3A_2, %add3A_3 : vector<2048xf32>
    %rsqrt3A = math.rsqrt %add3A_4 : vector<2048xf32>
    %get3A_5 = arith.constant 0 : index
    %get3A_6 = arith.constant 0 : index
    %get3A_7 = arith.constant 0 : index
    %get3A_8 = vector.load %arg1[%get3A_5, %get3A_6, %get3A_7] : memref<2x2048x128xf32, #tpu.memory_space<vmem>>, vector<1x2048x128xf32>
    %get3A_9 = vector.shape_cast %get3A_8 : vector<1x2048x128xf32> to vector<2048x128xf32>
    %get3A_10 = arith.constant 1 : index
    %get3A_11 = arith.constant 0 : index
    %get3A_12 = arith.constant 0 : index
    %get3A_13 = vector.load %arg1[%get3A_10, %get3A_11, %get3A_12] : memref<2x2048x128xf32, #tpu.memory_space<vmem>>, vector<1x2048x128xf32>
    %get3A_14 = vector.shape_cast %get3A_13 : vector<1x2048x128xf32> to vector<2048x128xf32>
    %add3A_15 = arith.addf %get3A_9, %get3A_14 : vector<2048x128xf32>
    %get3A_16 = arith.constant 0 : index
    %get3A_17 = arith.constant 0 : index
    %get3A_18 = vector.load %arg2[%get3A_16, %get3A_17] : memref<2048x128xf32, #tpu.memory_space<vmem>>, vector<2048x128xf32>
    %add3A_19 = arith.addf %add3A_15, %get3A_18 : vector<2048x128xf32>
    %broadcast_in_dim3A = vector.shape_cast %rsqrt3A : vector<2048xf32> to vector<2048x1xf32>
    %mul3A = vector.broadcast %broadcast_in_dim3A : vector<2048x1xf32> to vector<2048x128xf32>
    %mul3A_20 = arith.mulf %add3A_19, %mul3A : vector<2048x128xf32>
    %get3A_21 = arith.constant 0 : index
    %get3A_22 = arith.constant 0 : index
    %get3A_23 = vector.load %arg4[%get3A_21, %get3A_22] : memref<1x128xf32, #tpu.memory_space<vmem>>, vector<1x128xf32>
    %add3A_24 = vector.broadcast %get3A_23 : vector<1x128xf32> to vector<2048x128xf32>
    %add3A_25 = arith.addf %mul3A_20, %add3A_24 : vector<2048x128xf32>
    %max3A = arith.constant 0.000000e+00 : f32
    %max3A_26 = vector.broadcast %max3A : f32 to vector<2048x128xf32>
    %max3A_27 = arith.maximumf %add3A_25, %max3A_26 : vector<2048x128xf32>
    %get3A_28 = arith.constant 0 : index
    %get3A_29 = arith.constant 0 : index
    %get3A_30 = vector.load %arg5[%get3A_28, %get3A_29] : memref<128x128xf32, #tpu.memory_space<vmem>>, vector<128x128xf32>
    %dot_general3A = arith.constant dense<0.000000e+00> : vector<2048x128xf32>
    %dot_general3A_31 = tpu.matmul %max3A_27, %get3A_30, %dot_general3A {dimension_numbers = #tpu.dot_dimension_numbers<[1], [0], [0], [1], [0, 0, 1, 1], [], []>, transpose_lhs_hint = false} : vector<2048x128xf32>, vector<128x128xf32>, vector<2048x128xf32> -> vector<2048x128xf32>
    %broadcast_in_dim3A_32 = vector.shape_cast %rsqrt3A : vector<2048xf32> to vector<2048x1xf32>
    %mul3A_33 = vector.broadcast %broadcast_in_dim3A_32 : vector<2048x1xf32> to vector<2048x128xf32>
    %mul3A_34 = arith.mulf %dot_general3A_31, %mul3A_33 : vector<2048x128xf32>
    %swap3A = arith.constant 0 : index
    %swap3A_35 = arith.constant 0 : index
    %swap3A_36 = vector.load %arg6[%swap3A, %swap3A_35] : memref<2048x128xf32, #tpu.memory_space<vmem>>, vector<2048x128xf32>
    tpu.vector_store %arg6[%swap3A, %swap3A_35], %mul3A_34 {strides = array<i32>} : memref<2048x128xf32, #tpu.memory_space<vmem>>, vector<2048x128xf32>,
    return
  }
  func.func @transform_0(%arg0: i32) -> (i32, i32, i32) {
    %c0_i32 = arith.constant 0 : i32
    %c0_i32_0 = arith.constant 0 : i32
    %c0_i32_1 = arith.constant 0 : i32
    return %c0_i32, %arg0, %c0_i32_0 : i32, i32, i32
  }
  func.func @transform_1(%arg0: i32) -> (i32, i32) {
    %c0_i32 = arith.constant 0 : i32
    %c0_i32_0 = arith.constant 0 : i32
    return %arg0, %c0_i32 : i32, i32
  }
  func.func @transform_2(%arg0: i32) -> (i32, i32) {
    %c0_i32 = arith.constant 0 : i32
    %c0_i32_0 = arith.constant 0 : i32
    return %c0_i32, %arg0 : i32, i32
  }
  func.func @transform_3(%arg0: i32) -> (i32, i32) {
    %c0_i32 = arith.constant 0 : i32
    %c0_i32_0 = arith.constant 0 : i32
    %c0_i32_1 = arith.constant 0 : i32
    return %c0_i32, %c0_i32_0 : i32, i32
  }
  func.func @transform_4(%arg0: i32) -> (i32, i32) {
    %c0_i32 = arith.constant 0 : i32
    %c0_i32_0 = arith.constant 0 : i32
    %c0_i32_1 = arith.constant 0 : i32
    return %c0_i32, %c0_i32_0 : i32, i32
  }
  func.func @transform_5(%arg0: i32) -> (i32, i32) {
    %c0_i32 = arith.constant 0 : i32
    %c0_i32_0 = arith.constant 0 : i32
    return %arg0, %c0_i32 : i32, i32
  }
}

module attributes {stable_mosaic.version = 14 : i64} {
  func.func @_out_body(%arg0: i32, %arg1: memref<2x2048x128xf32, #tpu.memory_space<vmem>>, %arg2: memref<2048x128xf32, #tpu.memory_space<vmem>>, %arg3: memref<32x2048xf32, #tpu.memory_space<vmem>>, %arg4: memref<1x128xf32, #tpu.memory_space<vmem>>, %arg5: memref<2048x128xf32, #tpu.memory_space<vmem>>) attributes {dimension_semantics = [#tpu.dimension_semantics<arbitrary>], iteration_bounds = array<i64: 5>, scalar_prefetch = 0 : i64, scratch_operands = 0 : i64, tpu.core_type = #tpu.core_type<tc>, window_params = [{transform_indices = @transform_0, window_bounds = array<i64: 2, 2048, 128>}, {transform_indices = @transform_1, window_bounds = array<i64: 2048, 128>}, {transform_indices = @transform_2, window_bounds = array<i64: 32, 2048>}, {pipeline_mode = #tpu.pipeline_mode<synchronous>, transform_indices = @transform_3, window_bounds = array<i64: 1, 128>}, {transform_indices = @transform_4, window_bounds = array<i64: 2048, 128>}]} {
    %get3A = arith.constant 0 : index
    %get3A_0 = arith.constant 0 : index
    %get3A_1 = vector.load %arg3[%get3A, %get3A_0] : memref<32x2048xf32, #tpu.memory_space<vmem>>, vector<32x2048xf32>
    %reduce_sum3A = arith.constant dense<0.000000e+00> : vector<2048xf32>
    %reduce_sum3A_2 = vector.multi_reduction <add>, %get3A_1, %reduce_sum3A [0] : vector<32x2048xf32> to vector<2048xf32>
    %add3A = arith.constant 1.000000e+00 : f32
    %add3A_3 = vector.broadcast %add3A : f32 to vector<2048xf32>
    %add3A_4 = arith.addf %reduce_sum3A_2, %add3A_3 : vector<2048xf32>
    %rsqrt3A = math.rsqrt %add3A_4 : vector<2048xf32>
    %get3A_5 = arith.constant 0 : index
    %get3A_6 = arith.constant 0 : index
    %get3A_7 = arith.constant 0 : index
    %get3A_8 = vector.load %arg1[%get3A_5, %get3A_6, %get3A_7] : memref<2x2048x128xf32, #tpu.memory_space<vmem>>, vector<1x2048x128xf32>
    %get3A_9 = vector.shape_cast %get3A_8 : vector<1x2048x128xf32> to vector<2048x128xf32>
    %get3A_10 = arith.constant 1 : index
    %get3A_11 = arith.constant 0 : index
    %get3A_12 = arith.constant 0 : index
    %get3A_13 = vector.load %arg1[%get3A_10, %get3A_11, %get3A_12] : memref<2x2048x128xf32, #tpu.memory_space<vmem>>, vector<1x2048x128xf32>
    %get3A_14 = vector.shape_cast %get3A_13 : vector<1x2048x128xf32> to vector<2048x128xf32>
    %add3A_15 = arith.addf %get3A_9, %get3A_14 : vector<2048x128xf32>
    %get3A_16 = arith.constant 0 : index
    %get3A_17 = arith.constant 0 : index
    %get3A_18 = vector.load %arg2[%get3A_16, %get3A_17] : memref<2048x128xf32, #tpu.memory_space<vmem>>, vector<2048x128xf32>
    %add3A_19 = arith.addf %add3A_15, %get3A_18 : vector<2048x128xf32>
    %broadcast_in_dim3A = vector.shape_cast %rsqrt3A : vector<2048xf32> to vector<2048x1xf32>
    %mul3A = vector.broadcast %broadcast_in_dim3A : vector<2048x1xf32> to vector<2048x128xf32>
    %mul3A_20 = arith.mulf %add3A_19, %mul3A : vector<2048x128xf32>
    %get3A_21 = arith.constant 0 : index
    %get3A_22 = arith.constant 0 : index
    %get3A_23 = vector.load %arg4[%get3A_21, %get3A_22] : memref<1x128xf32, #tpu.memory_space<vmem>>, vector<1x128xf32>
    %add3A_24 = vector.broadcast %get3A_23 : vector<1x128xf32> to vector<2048x128xf32>
    %add3A_25 = arith.addf %mul3A_20, %add3A_24 : vector<2048x128xf32>
    %swap3A = arith.constant 0 : index
    %swap3A_26 = arith.constant 0 : index
    %swap3A_27 = vector.load %arg5[%swap3A, %swap3A_26] : memref<2048x128xf32, #tpu.memory_space<vmem>>, vector<2048x128xf32>
    tpu.vector_store %arg5[%swap3A, %swap3A_26], %add3A_25 {strides = array<i32>} : memref<2048x128xf32, #tpu.memory_space<vmem>>, vector<2048x128xf32>,
    return
  }
  func.func @transform_0(%arg0: i32) -> (i32, i32, i32) {
    %c0_i32 = arith.constant 0 : i32
    %c0_i32_0 = arith.constant 0 : i32
    %c0_i32_1 = arith.constant 0 : i32
    return %c0_i32, %arg0, %c0_i32_0 : i32, i32, i32
  }
  func.func @transform_1(%arg0: i32) -> (i32, i32) {
    %c0_i32 = arith.constant 0 : i32
    %c0_i32_0 = arith.constant 0 : i32
    return %arg0, %c0_i32 : i32, i32
  }
  func.func @transform_2(%arg0: i32) -> (i32, i32) {
    %c0_i32 = arith.constant 0 : i32
    %c0_i32_0 = arith.constant 0 : i32
    return %c0_i32, %arg0 : i32, i32
  }
  func.func @transform_3(%arg0: i32) -> (i32, i32) {
    %c0_i32 = arith.constant 0 : i32
    %c0_i32_0 = arith.constant 0 : i32
    %c0_i32_1 = arith.constant 0 : i32
    return %c0_i32, %c0_i32_0 : i32, i32
  }
  func.func @transform_4(%arg0: i32) -> (i32, i32) {
    %c0_i32 = arith.constant 0 : i32
    %c0_i32_0 = arith.constant 0 : i32
    return %arg0, %c0_i32 : i32, i32
  }
}

</mosaic_0001>

<sc_bundles>
// kernel: kernel.11.cloned.1.call-start
scs
__scs_entry_jumppad:
0x0: {  	(pc) =	sbr.rel $0x88, $3  }
0x1: {  	(tag) =	ssettag $0x0;
	lr =	simm.s32 $0x1  }
0x2: {  	[smem:$0x3F9B] =	sst lr;
	_ =	strace $0xD0000000  }
0x3: {  	_ = 	snop  }
0x4: {  	_ = 	snop  }
0x5: {  	_ = 	snop  }
0x6: {  	_ = 	snop  }
0x7: {  	_ = 	snop  }
__scs_overlays_trampoline_lowered:
0x8: {  	[smem:$0x3FAA] =	sst s0  }
0x9: {  	[smem:$0x3FAB] =	sst s1  }
0xa: {  	[smem:$0x3FAC] =	sst s2  }
0xb: {  	[smem:$0x3FAD] =	sst s3  }
0xc: {  	[smem:$0x3FAE] =	sst s4  }
0xd: {  	[smem:$0x3FAF] =	sst s5  }
0xe: {  	[smem:$0x3FB0] =	sst s6  }
0xf: {  	[smem:$0x3FB1] =	sst s7  }
0x10: {  	[smem:$0x3FB2] =	sst s8  }
0x11: {  	[smem:$0x3FB3] =	sst s9;
	s0 =	simm.s32 @!p0 $0x0  }
0x12: {  	s1 =	sld [smem:$0x3F99];
	s0 =	simm.s32 @p0 $0x1  }
0x13: {  	[smem:$0x3FB4] =	sst s0;
	s0 =	simm.s32 @!p1 $0x0  }
0x14: {  	s2 =	sld [smem:$0x3F98];
	s0 =	simm.s32 @p1 $0x1  }
0x15: {  	[smem:$0x3FB5] =	sst s0;
	s0 =	simm.s32 @!p2 $0x0  }
0x16: {  	s3 =	sld [smem:$0x3FDB];
	s0 =	simm.s32 @p2 $0x1  }
0x17: {  	s4 =	simm.s32 $0x1BF5;
	[smem:$0x3FB7] =	sst s0  }
0x18: {  	s0 =	sld [smem:$0x3F9A];
	_ =	swait.ge [sflag:s4], $0x0  }
0x19: {  	s7 =	sld [smem:$0x3F9B]  }
0x1a: {  	s8 =	sadd.s32 $0xFFFFE003, lr  }
0x1b: {  	s9 =	sadd.s32 $0xFFFFFEF7, lr;
	s5 =	simm.s32 $0xFFFFFFFF;
	p2 =	slt.u32 s8, $0xFFFFF086  }
0x1c: {  	p1 =	slt.u32 s9, $0xF7A;
	s5 =	simm.s32 @!p2 $0x0  }
0x1d: {  	s5 =	simm.s32 @p1 $0x1;
	p0 =	seq.s32 s7, s2  }
0x1e: {  	s7 =	smul.u32 @!p0 $0xF7A, s2;
	p2 =	seq.s32 @!p0 s5, $0x0  }
0x1f: {  	s9 =	smul.u32 $0xF7A, s1;
	s8 =	simm.s32 @!p0 $0x1BF5;
	p2 =	por !p2, p0  }
0x20: {  	[sflag:s8] =	ssyncset.s32 @!p0 $0xFFFFF086;
	s6 =	sadd.s32 @!p0 s3, s7;
	s7 =	simm.s32 @!p0 $0x108  }
0x21: {  	s3 =	sadd.s32 s3, s9;
	s6 =	sadd.s32 @!p0 $0x88, s6;
	s7 =	simm.s32 @p2 $0x1082  }
0x22: {  	[simem:s7], [sflag:s8] =	dma.local @!p0 [hbm:s6], $0xF7A  }
0x23: {  	s9 =	sor.u32 $0xD0000000, s2;
	s6 =	simm.s32 $0x108;
	_ =	swait.ge @!p0 [sflag:s8], $0x0  }
0x24: {  	s3 =	sadd.s32 $0x88, s3;
	s6 =	simm.s32 @!p1 $0x1082;
	[sflag:s4] =	ssyncset.s32 $0xFFFFF086  }
0x25: {  	[simem:s6], [sflag:s4] =	dma.local [hbm:s3], $0xF7A  }
0x26: {  	[smem:$0x3F9B] =	sst s1;
	(tag) =	ssettag s2;
	_ =	strace s9  }
0x27: {  	s1 =	sld [smem:$0x3FAB]  }
0x28: {  	s2 =	sld [smem:$0x3FAC]  }
0x29: {  	s4 =	sld [smem:$0x3FAE]  }
0x2a: {  	p0 =	seq.s32 s5, $0x0;
	s5 =	sld [smem:$0x3FAF]  }
0x2b: {  	s6 =	sld [smem:$0x3FB0]  }
0x2c: {  	s7 =	sld [smem:$0x3FB1]  }
0x2d: {  	s3 =	simm.s32 $0x108;
	s8 =	sld [smem:$0x3FB2]  }
0x2e: {  	s3 =	simm.s32 @!p0 $0x1082;
	s9 =	sld [smem:$0x3FB3]  }
0x2f: {  	lr =	sadd.s32 s0, s3;
	s0 =	sld [smem:$0x3FAA]  }
0x30: {  	s3 =	sld [smem:$0x3FAD]  }
0x31: {  	[smem:$0x3FB6] =	sst s10  }
0x32: {  	s10 =	sld [smem:$0x3FB4];
	_ =	sdelay $0x3  }
0x33: {  	p0 =	seq.s32 s10, $0x1;
	s10 =	sld [smem:$0x3FB6];
	_ =	sdelay $0x3  }
0x34: {  	[smem:$0x3FB6] =	sst s10  }
0x35: {  	s10 =	sld [smem:$0x3FB5];
	_ =	sdelay $0x3  }
0x36: {  	p1 =	seq.s32 s10, $0x1;
	s10 =	sld [smem:$0x3FB6];
	_ =	sdelay $0x3  }
0x37: {  	[smem:$0x3FB6] =	sst s10  }
0x38: {  	s10 =	sld [smem:$0x3FB7]  }
0x39: {  	_ = 	snop;
	(pc) =	sbr.ind lr, $3  }
0x3a: {  	_ = 	snop  }
0x3b: {  	_ = 	snop  }
0x3c: {  	p2 =	seq.s32 s10, $0x1;
	s10 =	sld [smem:$0x3FB6]  }
0x3d: {  	_ =	shalt  }
0x3e: {  	_ =	shalt  }
0x3f: {  	_ =	shalt  }
0x40: {  	_ =	shalt  }
0x41: {  	_ =	shalt  }
0x42: {  	_ =	shalt  }
0x43: {  	_ =	shalt  }
0x44: {  	_ =	shalt  }
0x45: {  	_ =	shalt  }
0x46: {  	_ =	shalt  }
0x47: {  	_ =	shalt  }
0x48: {  	_ =	shalt  }
0x49: {  	_ =	shalt  }
0x4a: {  	_ =	shalt  }
0x4b: {  	_ =	shalt  }
0x4c: {  	_ =	shalt  }
0x4d: {  	_ =	shalt  }
0x4e: {  	_ =	shalt  }
0x4f: {  	_ =	shalt  }
0x50: {  	_ =	shalt  }
0x51: {  	_ =	shalt  }
0x52: {  	_ =	shalt  }
0x53: {  	_ =	shalt  }
0x54: {  	_ =	shalt  }
0x55: {  	_ =	shalt  }
0x56: {  	_ =	shalt  }
0x57: {  	_ =	shalt  }
0x58: {  	_ =	shalt  }
0x59: {  	_ =	shalt  }
0x5a: {  	_ =	shalt  }
0x5b: {  	_ =	shalt  }
0x5c: {  	_ =	shalt  }
0x5d: {  	_ =	shalt  }
0x5e: {  	_ =	shalt  }
0x5f: {  	_ =	shalt  }
0x60: {  	_ =	shalt  }
0x61: {  	_ =	shalt  }
0x62: {  	_ =	shalt  }
0x63: {  	_ =	shalt  }
0x64: {  	_ =	shalt  }
0x65: {  	_ =	shalt  }
0x66: {  	_ =	shalt  }
0x67: {  	_ =	shalt  }
0x68: {  	_ =	shalt  }
0x69: {  	_ =	shalt  }
0x6a: {  	_ =	shalt  }
0x6b: {  	_ =	shalt  }
0x6c: {  	_ =	shalt  }
0x6d: {  	_ =	shalt  }
0x6e: {  	_ =	shalt  }
0x6f: {  	_ =	shalt  }
0x70: {  	_ =	shalt  }
0x71: {  	_ =	shalt  }
0x72: {  	_ =	shalt  }
0x73: {  	_ =	shalt  }
0x74: {  	_ =	shalt  }
0x75: {  	_ =	shalt  }
0x76: {  	_ =	shalt  }
0x77: {  	_ =	shalt  }
0x78: {  	_ =	shalt  }
0x79: {  	_ =	shalt  }
0x7a: {  	_ =	shalt  }
0x7b: {  	_ =	shalt  }
0x7c: {  	_ =	shalt  }
0x7d: {  	_ =	shalt  }
0x7e: {  	_ =	shalt  }
0x7f: {  	_ =	shalt  }
0x80: {  	_ =	shalt  }
0x81: {  	_ =	shalt  }
0x82: {  	_ =	shalt  }
0x83: {  	_ =	shalt  }
0x84: {  	_ =	shalt  }
0x85: {  	_ =	shalt  }
0x86: {  	_ =	shalt  }
0x87: {  	_ =	shalt  }
.Lfunc_end0:
.L_simem_size_0:
called_computation.1_lowered:
.L_overlay_start_0:
0x88: {  	s2 =	sld [smem:$0x3FD9]  }
0x89: {  	s3 =	sld [smem:$0x3FFE];
	_ =	sdelay $0x1  }
0x8a: {  	s1 =	srdreg.scid  }
0x8b: {  	s0 =	sand.u32 $0x1, s1  }
0x8c: {  	s17 =	sshll.u32 s0, $0xA;
	s2 =	sadd.s32 s3, s2  }
0x8d: {  	s2 =	sadd.s32 s2, s17  }
0x8e: {  	[smem:$0x3FC2] =	sst s2  }
0x8f: {  	_ = 	snop  }
0x90: {  	s2 =	sld [smem:$0x3FD0];
	(tm) =	ssettm $0x1  }
0x91: {  	s18 =	sld [smem:$0x3FFB];
	_ =	sdelay $0x3  }
0x92: {  	_ =	strace s18  }
0x93: {  	s3 =	sld [smem:$0x3FFC];
	_ =	sdelay $0x3  }
0x94: {  	_ =	strace s3  }
0x95: {  	s3 =	sld [smem:$0x3FFD];
	_ =	sdelay $0x3  }
0x96: {  	_ =	strace s3  }
0x97: {  	_ =	strace $0x8FFFFFFF  }
0x98: {  	s19 =	sld [smem:$0x3FDB];
	_ =	sdelay $0x1  }
0x99: {  	s4 =	simm.s32 $_scs_section_size  }
0x9a: {  	s5 =	simm.s32 $_size__tile_overlayer_lowered;
	s6 =	simm.s32 $_tile_overlayer_lowered  }
0x9b: {  	s22 =	simm.s32 $0x1BFF;
	s21 =	sshll.u32 s6, $0x1;
	s3 =	sadd.s32 s4, s19  }
0x9c: {  	s7 =	simm.s32 $0x0;
	s20 =	sshll.u32 s5, $0x1;
	s5 =	sadd.s32 s21, s3  }
0x9d: {  	[timem:s7], [sflag:s22] =	dma.local [hbm:s5], s20  }
0x9e: {  	_ =	swait.ge [sflag:s22], s20  }
0x9f: {  	s4 =	ssub.s32 $0x0, s20;
	[sflag:s22] =	ssyncset.done $0x0  }
0xa0: {  	[sflag:s22] =	ssyncadd.s32 s4;
	_ =	sdelay $0x1  }
0xa1: {  	s23 =	simm.s32 $0x1B8B  }
0xa2: {  	_ =	swait.ge [sflag:s23], $0x1  }
0xa3: {  	[sflag:s23] =	ssyncset.done $0x0  }
0xa4: {  	s25 =	simm.s32 $0x1B8E;
	s24 =	sld [smem:$0x3FFE];
	[sflag:s23] =	ssyncadd.s32 $0xFFFFFFFF  }
0xa5: {  	s26 =	simm.s32 $execute0_lowered;
	[smem:$0x3FD2] =	sst s25  }
0xa6: {  	s5 =	sshll.u32 s26, $0x1;
	_ =	strace $0x80000049;
	[dreg:$0x1] =	wrdreg $0xFFFFFFFF  }
0xa7: {  	s28 =	simm.s32 $_size_execute0_lowered;
	s3 =	sadd.s32 s3, s5;
	[dreg:$0x0] =	wrdreg $0x0  }
0xa8: {  	s5 =	sshll.u32 s28, $0x1;
	[dreg:$0x2] =	wrdreg s3  }
0xa9: {  	[dreg:$0x3] =	wrdreg s5  }
0xaa: {  	[dreg:$0x4] =	wrdreg $0xC0  }
0xab: {  	_ =	task [dreg:s7], $0x5FFFF  }
0xac: {  	[dreg:$0x1] =	wrdreg $0xFFFFFFFF  }
0xad: {  	[dreg:$0x0] =	wrdreg $0x60  }
0xae: {  	[dreg:$0x2] =	wrdreg s24  }
0xaf: {  	[dreg:$0x3] =	wrdreg s2  }
0xb0: {  	[dreg:$0x4] =	wrdreg $0xA8000  }
0xb1: {  	[dreg:$0x5] =	wrdreg $0x9  }
0xb2: {  	_ =	task.clear_ibuf [dreg:s7], $0x6FFFF;
	_ =	strace $0x90000049  }
0xb3: {  	s29 =	simm.s32 $0x9;
	_ =	strace $0x8000004B  }
0xb4: {  	_ =	swait.ge [sflag:s29], $0x1  }
0xb5: {  	[sflag:s29] =	ssyncadd.s32 $0xFFFFFFFF  }
0xb6: {  	_ =	strace $0x9000004B  }
0xb7: {  	_ =	sfence  }
0xb8: {  	s30 =	sld [smem:$0x0];
	_ =	sdelay $0x2  }
0xb9: {  	s31 =	sshll.u32 s1, $0xD;
	s1 =	sshrl.u32 s1, $0x2  }
0xba: {  	s3 =	sand.u32 $0x4000, s31;
	s1 =	sadd.s32 s1, s30  }
0xbb: {  	s0 =	sor.u32 s3, s0;
	s1 =	sshll.u32 s1, $0x11  }
0xbc: {  	s0 =	sor.u32 s1, s0  }
0xbd: {  	s0 =	sadd.s32 $0x8F2B, s0  }
0xbe: {  	[sflag:s0] =	ssyncadd.remote.s32 $0x1  }
0xbf: {  	_ =	sfence.sel $0xFFFF  }
0xc0: {  	[dreg:$0x0] =	wrdreg $0xFFFFFFFF;
	(pc) =	sbr.abs _section_cstart, $3  }
0xc1: {  	[dreg:$0x1] =	wrdreg $0xFFFFFFFF  }
0xc2: {  	_ =	task.clear_ibuf [dreg:s7], $0x2FFFF;
	_ =	strace $0x9FFFFFFF  }
0xc3: {  	(tm) =	ssettm $0x7FFFFFFF  }
tec
execute0_lowered:
.L_overlay_start_1:
0x0: {  	(tag) =	ssettag $0x1  }
0x1: {  	s0 =	rddreg [dreg:$0x0]  }
0x2: {  	s1 =	srdreg.scid;
	s3 =	rddreg [dreg:$0x2]  }
0x3: {  	s2 =	stileid.u32;
	s18 =	simm.s32 $0x0;
	s28 =	simm.s32 $0x6800  }
0x4: {  	s29 =	simm.s32 $0x180;
	s30 =	simm.s32 $0x8800;
	s31 =	simm.s32 $0x1  }
0x5: {  	s9 =	simm.s32 $0x5;
	s10 =	simm.s32 $0x4;
	s11 =	simm.s32 $0x6  }
0x6: {  	s12 =	simm.s32 $0x7;
	s13 =	simm.s32 $0x8;
	s7 =	smul.u32 $0x50000, s2  }
0x7: {  	s1 =	sand.u32 $0x1, s1;
	s6 =	smul.u32 $0x14000, s2;
	[smem:$0x7FF] =	sst s18  }
0x8: {  	s5 =	sadd.s32 $0x20400, s0;
	s4 =	smul.u32 $0x140000, s1;
	s7 =	sshrl.u32 s7, $0x2  }
0x9: {  	_ =	strace $0x8000004A;
	s14 =	ssub.s32 $0x2, s1;
	s19 =	sadd.s32 s7, s3  }
0xa: {  	s1 =	sshll.u32 s1, $0x4;
	s16 =	sadd.s32 $0x2000, s19;
	[dreg:$0x5] =	wrdreg s19  }
0xb: {  	s8 =	sshrl.u32 s14, $0x1;
	s17 =	sadd.s32 $0x4000, s19;
	[dreg:$0x8] =	wrdreg s16  }
0xc: {  	s1 =	sor.u32 s2, s1;
	s20 =	sadd.s32 $0x6000, s19;
	[dreg:$0x9] =	wrdreg s17  }
0xd: {  	s4 =	sadd.s32 s6, s4;
	s21 =	sadd.s32 $0x8000, s19;
	[dreg:$0xa] =	wrdreg s20  }
0xe: {  	s6 =	sadd.s32 $0xC400, s0;
	s22 =	sadd.s32 $0xA000, s19;
	[dreg:$0xb] =	wrdreg s21  }
0xf: {  	s4 =	sshrl.u32 s4, $0x3;
	s23 =	sadd.s32 $0xC000, s19;
	[dreg:$0xc] =	wrdreg s22  }
0x10: {  	s24 =	sadd.s32 $0xE000, s19;
	s25 =	sadd.s32 $0x10000, s19;
	[dreg:$0xd] =	wrdreg s23  }
0x11: {  	s26 =	sadd.s32 $0x12000, s19;
	s0 =	sadd.s32 s4, s0;
	[dreg:$0xe] =	wrdreg s24  }
0x12: {  	s4 =	ssub.s32 s14, s8;
	s8 =	smul.u32 $0x5000, s1;
	[dreg:$0xf] =	wrdreg s25  }
0x13: {  	[dreg:$0x10] =	wrdreg s26;
	s20 =	simm.s32 $0x2800;
	s21 =	simm.s32 $0x9  }
0x14: {  	s22 =	simm.s32 $0x1400;
	s23 =	simm.s32 $0x40;
	s24 =	simm.s32 $0x80  }
0x15: {  	s25 =	simm.s32 $0x4800;
	s26 =	simm.s32 $0x100;
	s1 =	simm.s32 $0x3  }
0x16: {  	s14 =	simm.s32 $0x2600;
	s16 =	simm.s32 $0x2700;
	s0 =	sadd.s32 $0x48400, s0  }
0x17: {  	s17 =	simm.s32 $0x2780;
	s15 =	smax.u32 s4, $0x1;
	[dreg:$0x6] =	wrdreg s0  }
0x18: {  	v0 =	vimm.f32 $0.0e+00;
	[dreg:$0x7] =	wrdreg s15;
	s0 =	simm.s32 $0x2;
	s15 =	simm.s32 $0x2680  }
.LBB2_1:
0x19: {  	[dreg:$0x4] =	wrdreg s18;
	s4 =	simm.s32 $0x0;
	s7 =	simm.s32 $0x200  }
.LBB2_2:
0x1a: {  	p0 =	sne.s32 s7, $0x7E00;
	[tilespmem:s4+$0x2870] =	vst v0  }
0x1b: {  	[tilespmem:s4+$0x2800] =	vst v0  }
0x1c: {  	[tilespmem:s4+$0x2810] =	vst v0  }
.Ltmp0:
0x1d: {  	[tilespmem:s4+$0x2820] =	vst v0;
	(pc) =	sbr.rel @p0 .LBB2_2-.Ltmp0, $4  }
0x1e: {  	[tilespmem:s4+$0x2830] =	vst v0  }
0x1f: {  	[tilespmem:s4+$0x2840] =	vst v0  }
0x20: {  	[tilespmem:s4+$0x2850] =	vst v0  }
0x21: {  	[tilespmem:s4+$0x2860] =	vst v0;
	s4 =	sshra.s32 s7, $0x2;
	s7 =	sadd.s32 $0x200, s7  }
0x22: {  	[tilespmem:s4+$0x2870] =	vst v0  }
0x23: {  	[tilespmem:s4+$0x2800] =	vst v0  }
0x24: {  	[tilespmem:s4+$0x2810] =	vst v0  }
0x25: {  	[tilespmem:s4+$0x2820] =	vst v0  }
0x26: {  	[tilespmem:s4+$0x2830] =	vst v0  }
0x27: {  	[tilespmem:s4+$0x2840] =	vst v0  }
0x28: {  	[tilespmem:s4+$0x2850] =	vst v0  }
0x29: {  	[tilespmem:s4+$0x2860] =	vst v0  }
0x2a: {  	[spmem:s19] =	stream.linear.scatter [tilespmem:s20], [sflag:$0x9], $0x2000, $0x38;
	[tilespmem:$0x1E800] =	vst v63  }
0x2b: {  	_ =	swait.ge [sflag:s21], $0x2000  }
0x2c: {  	[sflag:s21] =	ssyncset.done $0x0  }
0x2d: {  	s2 =	rddreg [dreg:$0x8];
	[sflag:s21] =	ssyncadd.s32 $0xFFFFE000  }
0x2e: {  	[spmem:s2] =	stream.linear.scatter [tilespmem:s20], [sflag:$0x9], $0x2000, $0x38;
	[tilespmem:$0x1E800] =	vst v63  }
0x2f: {  	_ =	swait.ge [sflag:s21], $0x2000  }
0x30: {  	[sflag:s21] =	ssyncset.done $0x0  }
0x31: {  	s4 =	rddreg [dreg:$0x9];
	[sflag:s21] =	ssyncadd.s32 $0xFFFFE000  }
0x32: {  	[spmem:s4] =	stream.linear.scatter [tilespmem:s20], [sflag:$0x9], $0x2000, $0x38;
	[tilespmem:$0x1E800] =	vst v63  }
0x33: {  	_ =	swait.ge [sflag:s21], $0x2000  }
0x34: {  	[sflag:s21] =	ssyncset.done $0x0  }
0x35: {  	s7 =	rddreg [dreg:$0xa];
	[sflag:s21] =	ssyncadd.s32 $0xFFFFE000  }
0x36: {  	[spmem:s7] =	stream.linear.scatter [tilespmem:s20], [sflag:$0x9], $0x2000, $0x38;
	[tilespmem:$0x1E800] =	vst v63  }
0x37: {  	_ =	swait.ge [sflag:s21], $0x2000  }
0x38: {  	[sflag:s21] =	ssyncset.done $0x0  }
0x39: {  	s18 =	rddreg [dreg:$0xb];
	[sflag:s21] =	ssyncadd.s32 $0xFFFFE000  }
0x3a: {  	[spmem:s18] =	stream.linear.scatter [tilespmem:s20], [sflag:$0x9], $0x2000, $0x38;
	[tilespmem:$0x1E800] =	vst v63  }
0x3b: {  	_ =	swait.ge [sflag:s21], $0x2000  }
0x3c: {  	[sflag:s21] =	ssyncset.done $0x0  }
0x3d: {  	s19 =	rddreg [dreg:$0xc];
	[sflag:s21] =	ssyncadd.s32 $0xFFFFE000  }
0x3e: {  	[spmem:s19] =	stream.linear.scatter [tilespmem:s20], [sflag:$0x9], $0x2000, $0x38;
	[tilespmem:$0x1E800] =	vst v63  }
0x3f: {  	_ =	swait.ge [sflag:s21], $0x2000  }
0x40: {  	[sflag:s21] =	ssyncset.done $0x0  }
0x41: {  	s4 =	rddreg [dreg:$0xd];
	[sflag:s21] =	ssyncadd.s32 $0xFFFFE000  }
0x42: {  	[spmem:s4] =	stream.linear.scatter [tilespmem:s20], [sflag:$0x9], $0x2000, $0x38;
	[tilespmem:$0x1E800] =	vst v63  }
0x43: {  	_ =	swait.ge [sflag:s21], $0x2000  }
0x44: {  	[sflag:s21] =	ssyncset.done $0x0  }
0x45: {  	s7 =	rddreg [dreg:$0xe];
	[sflag:s21] =	ssyncadd.s32 $0xFFFFE000  }
0x46: {  	[spmem:s7] =	stream.linear.scatter [tilespmem:s20], [sflag:$0x9], $0x2000, $0x38;
	[tilespmem:$0x1E800] =	vst v63  }
0x47: {  	_ =	swait.ge [sflag:s21], $0x2000  }
0x48: {  	[sflag:s21] =	ssyncset.done $0x0  }
0x49: {  	s18 =	rddreg [dreg:$0xf];
	[sflag:s21] =	ssyncadd.s32 $0xFFFFE000  }
0x4a: {  	[spmem:s18] =	stream.linear.scatter [tilespmem:s20], [sflag:$0x9], $0x2000, $0x38;
	[tilespmem:$0x1E800] =	vst v63  }
0x4b: {  	_ =	swait.ge [sflag:s21], $0x2000  }
0x4c: {  	[sflag:s21] =	ssyncset.done $0x0  }
0x4d: {  	s19 =	rddreg [dreg:$0x10];
	[sflag:s21] =	ssyncadd.s32 $0xFFFFE000  }
0x4e: {  	[spmem:s19] =	stream.linear.scatter [tilespmem:s20], [sflag:$0x9], $0x2000, $0x38;
	[tilespmem:$0x1E800] =	vst v63  }
0x4f: {  	_ =	swait.ge [sflag:s21], $0x2000  }
0x50: {  	[sflag:s21] =	ssyncset.done $0x0  }
0x51: {  	[sflag:s21] =	ssyncadd.s32 $0xFFFFE000  }
0x52: {  	s18 =	simm.s32 $0x0;
	s19 =	simm.s32 $0x0;
	[bflag:$0x0] =	sbarrier.arrive $0xFFFF  }
.LBB2_4:
0x53: {  	s4 =	smul.u32 $0x1400, s19;
	_ =	sdelay $0x1  }
0x54: {  	s4 =	sadd.s32 s8, s4  }
0x55: {  	s4 =	sshrl.u32 s4, $0x3  }
0x56: {  	s7 =	sadd.s32 s6, s4  }
0x57: {  	[tilespmem:s18], [sflag:$0x9] =	stream.linear.gather [hbm4b:s7+s18], $0x1400, $0x38;
	[tilespmem:$0x1E800] =	vst v63  }
0x58: {  	_ =	swait.ge [sflag:s21], $0x1400  }
0x59: {  	[sflag:s21] =	ssyncset.done $0x0  }
0x5a: {  	[sflag:s21] =	ssyncadd.s32 $0xFFFFEC00  }
0x5b: {  	s2 =	rddreg [dreg:$0x1]  }
0x5c: {  	s4 =	sadd.s32 s2, s4  }
0x5d: {  	[tilespmem:s22], [sflag:$0x9] =	stream.linear.gather [hbm4b:s4+s18], $0x1400, $0x38;
	[tilespmem:$0x1E800] =	vst v63  }
0x5e: {  	_ =	swait.ge [sflag:s21], $0x1400  }
0x5f: {  	[sflag:s21] =	ssyncset.done $0x0  }
0x60: {  	[sflag:s21] =	ssyncadd.s32 $0xFFFFEC00  }
0x61: {  	[tilespmem:s20], [sflag:$0x1] =	stream.indirect.gather [hbm4b:s5+s23], $0x80, s18, s23, $0xb8;
	[tilespmem:$0x1E800] =	vst v63  }
0x62: {  	_ = 	snop  }
0x63: {  	[tilespmem:s25], [sflag:$0x2] =	stream.indirect.gather [hbm4b:s5+s23], $0x80, s24, s23, $0xb8;
	[tilespmem:$0x1E800] =	vst v63  }
0x64: {  	_ = 	snop  }
0x65: {  	[tilespmem:s28], [sflag:$0x3] =	stream.indirect.gather [hbm4b:s5+s23], $0x80, s26, s23, $0xb8;
	[tilespmem:$0x1E800] =	vst v63  }
0x66: {  	_ = 	snop  }
0x67: {  	[tilespmem:s30], [sflag:$0x4] =	stream.indirect.gather [hbm4b:s5+s23], $0x80, s29, s23, $0xb8;
	[tilespmem:$0x1E800] =	vst v63  }
0x68: {  	_ =	swait.ge [sflag:s31], $0x2000  }
0x69: {  	[sflag:s31] =	ssyncset.done $0x0  }
0x6a: {  	s7 =	simm.s32 $0x1400;
	[sflag:s31] =	ssyncadd.s32 $0xFFFFE000  }
0x6b: {  	[spmem:s3] =	stream.indirect.scatter.add.f32 [tilespmem:s20], [sflag:$0x5], $0x80, s7, s23, $0xb8;
	[tilespmem:$0x1E800] =	vst v63  }
0x6c: {  	_ =	swait.ge [sflag:s0], $0x2000  }
0x6d: {  	[sflag:s0] =	ssyncset.done $0x0  }
0x6e: {  	s2 =	simm.s32 $0x1480;
	[sflag:s0] =	ssyncadd.s32 $0xFFFFE000  }
0x6f: {  	[spmem:s3] =	stream.indirect.scatter.add.f32 [tilespmem:s25], [sflag:$0x6], $0x80, s2, s23, $0xb8;
	[tilespmem:$0x1E800] =	vst v63  }
0x70: {  	_ =	swait.ge [sflag:s1], $0x2000  }
0x71: {  	[sflag:s1] =	ssyncset.done $0x0  }
0x72: {  	s7 =	simm.s32 $0x1500;
	[sflag:s1] =	ssyncadd.s32 $0xFFFFE000  }
0x73: {  	[spmem:s3] =	stream.indirect.scatter.add.f32 [tilespmem:s28], [sflag:$0x7], $0x80, s7, s23, $0xb8;
	[tilespmem:$0x1E800] =	vst v63  }
0x74: {  	_ =	swait.ge [sflag:s9], $0x2000  }
0x75: {  	[sflag:s9] =	ssyncset.done $0x0  }
0x76: {  	s2 =	simm.s32 $0x200;
	[sflag:s9] =	ssyncadd.s32 $0xFFFFE000  }
0x77: {  	[tilespmem:s20], [sflag:$0x1] =	stream.indirect.gather [hbm4b:s5+s23], $0x80, s2, s23, $0xb8;
	[tilespmem:$0x1E800] =	vst v63  }
0x78: {  	_ =	swait.ge [sflag:s10], $0x2000  }
0x79: {  	[sflag:s10] =	ssyncset.done $0x0  }
0x7a: {  	s7 =	simm.s32 $0x1580;
	[sflag:s10] =	ssyncadd.s32 $0xFFFFE000  }
0x7b: {  	[spmem:s3] =	stream.indirect.scatter.add.f32 [tilespmem:s30], [sflag:$0x8], $0x80, s7, s23, $0xb8;
	[tilespmem:$0x1E800] =	vst v63  }
0x7c: {  	_ =	swait.ge [sflag:s11], $0x2000  }
0x7d: {  	[sflag:s11] =	ssyncset.done $0x0  }
0x7e: {  	s2 =	simm.s32 $0x280;
	[sflag:s11] =	ssyncadd.s32 $0xFFFFE000  }
0x7f: {  	[tilespmem:s25], [sflag:$0x2] =	stream.indirect.gather [hbm4b:s5+s23], $0x80, s2, s23, $0xb8;
	[tilespmem:$0x1E800] =	vst v63  }
0x80: {  	_ =	swait.ge [sflag:s12], $0x2000  }
0x81: {  	[sflag:s12] =	ssyncset.done $0x0  }
0x82: {  	s7 =	simm.s32 $0x300;
	[sflag:s12] =	ssyncadd.s32 $0xFFFFE000  }
0x83: {  	[tilespmem:s28], [sflag:$0x3] =	stream.indirect.gather [hbm4b:s5+s23], $0x80, s7, s23, $0xb8;
	[tilespmem:$0x1E800] =	vst v63  }
0x84: {  	_ =	swait.ge [sflag:s13], $0x2000  }
0x85: {  	[sflag:s13] =	ssyncset.done $0x0  }
0x86: {  	s4 =	simm.s32 $0x380;
	s7 =	simm.s32 $0x800;
	[sflag:s13] =	ssyncadd.s32 $0xFFFFE000  }
.LBB2_5:
0x87: {  	[tilespmem:s30], [sflag:$0x4] =	stream.indirect.gather [hbm4b:s5+s23], $0x80, s4, s23, $0xb8;
	[tilespmem:$0x1E800] =	vst v63  }
0x88: {  	s4 =	smov.u32 s7  }
0x89: {  	p0 =	sne.s32 s7, $0x4000;
	s7 =	sadd.s32 $0x800, s7;
	_ =	swait.ge [sflag:s31], $0x2000  }
0x8a: {  	s4 =	sshra.s32 s4, $0x2;
	[sflag:s31] =	ssyncset.done $0x0  }
0x8b: {  	s2 =	sadd.s32 $0x1400, s4;
	[sflag:s31] =	ssyncadd.s32 $0xFFFFE000  }
0x8c: {  	[spmem:s3] =	stream.indirect.scatter.add.f32 [tilespmem:s20], [sflag:$0x5], $0x80, s2, s23, $0xb8;
	[tilespmem:$0x1E800] =	vst v63  }
0x8d: {  	_ =	swait.ge [sflag:s0], $0x2000  }
0x8e: {  	[sflag:s0] =	ssyncset.done $0x0  }
0x8f: {  	s2 =	sadd.s32 $0x1480, s4;
	[sflag:s0] =	ssyncadd.s32 $0xFFFFE000  }
0x90: {  	[spmem:s3] =	stream.indirect.scatter.add.f32 [tilespmem:s25], [sflag:$0x6], $0x80, s2, s23, $0xb8;
	[tilespmem:$0x1E800] =	vst v63  }
0x91: {  	_ =	swait.ge [sflag:s1], $0x2000  }
0x92: {  	[sflag:s1] =	ssyncset.done $0x0  }
0x93: {  	s2 =	sadd.s32 $0x1500, s4;
	[sflag:s1] =	ssyncadd.s32 $0xFFFFE000  }
0x94: {  	[spmem:s3] =	stream.indirect.scatter.add.f32 [tilespmem:s28], [sflag:$0x7], $0x80, s2, s23, $0xb8;
	[tilespmem:$0x1E800] =	vst v63  }
0x95: {  	_ =	swait.ge [sflag:s9], $0x2000  }
0x96: {  	[sflag:s9] =	ssyncset.done $0x0  }
0x97: {  	s2 =	sadd.s32 $0x200, s4;
	[sflag:s9] =	ssyncadd.s32 $0xFFFFE000  }
0x98: {  	[tilespmem:s20], [sflag:$0x1] =	stream.indirect.gather [hbm4b:s5+s23], $0x80, s2, s23, $0xb8;
	[tilespmem:$0x1E800] =	vst v63  }
0x99: {  	_ =	swait.ge [sflag:s10], $0x2000  }
0x9a: {  	[sflag:s10] =	ssyncset.done $0x0  }
0x9b: {  	s2 =	sadd.s32 $0x1580, s4;
	[sflag:s10] =	ssyncadd.s32 $0xFFFFE000  }
0x9c: {  	[spmem:s3] =	stream.indirect.scatter.add.f32 [tilespmem:s30], [sflag:$0x8], $0x80, s2, s23, $0xb8;
	[tilespmem:$0x1E800] =	vst v63  }
0x9d: {  	_ =	swait.ge [sflag:s11], $0x2000  }
0x9e: {  	[sflag:s11] =	ssyncset.done $0x0  }
0x9f: {  	s2 =	sadd.s32 $0x280, s4;
	[sflag:s11] =	ssyncadd.s32 $0xFFFFE000  }
0xa0: {  	[tilespmem:s25], [sflag:$0x2] =	stream.indirect.gather [hbm4b:s5+s23], $0x80, s2, s23, $0xb8;
	[tilespmem:$0x1E800] =	vst v63  }
0xa1: {  	_ =	swait.ge [sflag:s12], $0x2000  }
0xa2: {  	[sflag:s12] =	ssyncset.done $0x0  }
.Ltmp1:
0xa3: {  	s2 =	sadd.s32 $0x300, s4;
	[sflag:s12] =	ssyncadd.s32 $0xFFFFE000;
	(pc) =	sbr.rel @p0 .LBB2_5-.Ltmp1, $4  }
0xa4: {  	[tilespmem:s28], [sflag:$0x3] =	stream.indirect.gather [hbm4b:s5+s23], $0x80, s2, s23, $0xb8;
	[tilespmem:$0x1E800] =	vst v63  }
0xa5: {  	_ =	swait.ge [sflag:s13], $0x2000  }
0xa6: {  	[sflag:s13] =	ssyncset.done $0x0  }
0xa7: {  	s4 =	sadd.s32 $0x380, s4;
	[sflag:s13] =	ssyncadd.s32 $0xFFFFE000  }
0xa8: {  	[tilespmem:s30], [sflag:$0x4] =	stream.indirect.gather [hbm4b:s5+s23], $0x80, s4, s23, $0xb8;
	[tilespmem:$0x1E800] =	vst v63  }
0xa9: {  	_ =	swait.ge [sflag:s31], $0x2000  }
0xaa: {  	[sflag:s31] =	ssyncset.done $0x0  }
0xab: {  	[sflag:s31] =	ssyncadd.s32 $0xFFFFE000  }
0xac: {  	[spmem:s3] =	stream.indirect.scatter.add.f32 [tilespmem:s20], [sflag:$0x5], $0x80, s14, s23, $0xb8;
	[tilespmem:$0x1E800] =	vst v63  }
0xad: {  	_ =	swait.ge [sflag:s0], $0x2000  }
0xae: {  	[sflag:s0] =	ssyncset.done $0x0  }
0xaf: {  	[sflag:s0] =	ssyncadd.s32 $0xFFFFE000  }
0xb0: {  	[spmem:s3] =	stream.indirect.scatter.add.f32 [tilespmem:s25], [sflag:$0x6], $0x80, s15, s23, $0xb8;
	[tilespmem:$0x1E800] =	vst v63  }
0xb1: {  	_ =	swait.ge [sflag:s1], $0x2000  }
0xb2: {  	[sflag:s1] =	ssyncset.done $0x0  }
0xb3: {  	[sflag:s1] =	ssyncadd.s32 $0xFFFFE000  }
0xb4: {  	[spmem:s3] =	stream.indirect.scatter.add.f32 [tilespmem:s28], [sflag:$0x7], $0x80, s16, s23, $0xb8;
	[tilespmem:$0x1E800] =	vst v63  }
0xb5: {  	_ =	swait.ge [sflag:s9], $0x2000  }
0xb6: {  	[sflag:s9] =	ssyncset.done $0x0  }
0xb7: {  	[sflag:s9] =	ssyncadd.s32 $0xFFFFE000  }
0xb8: {  	_ =	swait.ge [sflag:s10], $0x2000  }
0xb9: {  	[sflag:s10] =	ssyncset.done $0x0  }
0xba: {  	[sflag:s10] =	ssyncadd.s32 $0xFFFFE000  }
0xbb: {  	[spmem:s3] =	stream.indirect.scatter.add.f32 [tilespmem:s30], [sflag:$0x8], $0x80, s17, s23, $0xb8;
	[tilespmem:$0x1E800] =	vst v63  }
0xbc: {  	_ =	swait.ge [sflag:s11], $0x2000  }
0xbd: {  	[sflag:s11] =	ssyncset.done $0x0  }
0xbe: {  	s19 =	sadd.s32 $0x1, s19;
	[sflag:s11] =	ssyncadd.s32 $0xFFFFE000  }
0xbf: {  	p0 =	sne.s32 s19, $0x4;
	_ =	swait.ge [sflag:s12], $0x2000  }
.Ltmp2:
0xc0: {  	[sflag:s12] =	ssyncset.done $0x0;
	(pc) =	sbr.rel @p0 .LBB2_4-.Ltmp2, $4  }
0xc1: {  	[sflag:s12] =	ssyncadd.s32 $0xFFFFE000  }
0xc2: {  	_ =	swait.ge [sflag:s13], $0x2000  }
0xc3: {  	[sflag:s13] =	ssyncset.done $0x0  }
0xc4: {  	[sflag:s13] =	ssyncadd.s32 $0xFFFFE000  }
0xc5: {  	s2 =	stileid.u32;
	[bflag:$0x0] =	sbarrier.arrive $0xFFFF  }
0xc6: {  	s2 =	sshll.u32 s2, $0x6;
	s19 =	rddreg [dreg:$0x5]  }
0xc7: {  	s7 =	rddreg [dreg:$0x6];
	s2 =	sor.u32 $0x1C09, s2;
	s4 =	sshrl.u32 s19, $0x3  }
0xc8: {  	[hbm:s7], [sflag:s2] =	dma.local [spmem:s4], $0x2800  }
0xc9: {  	_ =	swait.ge [sflag:s21], $0x2800  }
0xca: {  	s18 =	rddreg [dreg:$0x4]  }
0xcb: {  	s7 =	rddreg [dreg:$0x7];
	s18 =	sadd.s32 $0x1, s18  }
0xcc: {  	p0 =	sne.s32 s18, s7  }
.Ltmp3:
0xcd: {  	_ = 	snop;
	(pc) =	sbr.rel @p0 .LBB2_1-.Ltmp3, $3  }
0xce: {  	_ =	sdelay $0x1  }
0xcf: {  	[sflag:s21] =	ssyncset.done $0x0  }
0xd0: {  	[sflag:s21] =	ssyncadd.s32 $0xFFFFD800  }
0xd1: {  	_ =	sfence.sel $0x180000  }
0xd2: {  	[bflag:$0x0] =	sbarrier.arrive $0xFFFF  }
0xd3: {  	_ =	strace $0x9000004A  }
0xd4: {  	s0 =	stileid.u32;
	[bflag:$0x2] =	sbarrier.arrive $0xFFFF  }
0xd5: {  	p0 =	sne.s32 s0, $0x0;
	s0 =	rddreg [dreg:$0x3]  }
0xd6: {  	s0 =	sadd.s32 @!p0 $0x100000, s0  }
0xd7: {  	[sflag:s0] =	ssyncadd.tile.s32 @!p0 $0x1;
	_ =	shalt  }
.Lfunc_end2:
_tile_overlayer_lowered:
.L_overlay_start_2:
0xd8: {  	(tag) =	ssettag $0x2  }
0xd9: {  	s0 =	rddreg [dreg:$0x0];
	s2 =	stileid.u32  }
0xda: {  	s1 =	rddreg [dreg:$0x1];
	p0 =	sne.s32 s2, $0x0  }
0xdb: {  	s3 =	rddreg [dreg:$0x2];
	[bflag:$0x3] =	sbarrier.arrive $0xFFFF;
	s2 =	simm.s32 @!p0 $0x1C09  }
0xdc: {  	[timem:s3], [sflag:s2] =	dma.local @!p0 [hbm:s0], s1  }
0xdd: {  	s0 =	simm.s32 @!p0 $0x9  }
0xde: {  	_ =	swait.ge @!p0 [sflag:s0], s1  }
0xdf: {  	s1 =	ssub.s32 @!p0 $0x0, s1;
	[sflag:s0] =	ssyncset.done @!p0 $0x0  }
0xe0: {  	[sflag:s0] =	ssyncadd.s32 @!p0 s1  }
0xe1: {  	[bflag:$0x3] =	sbarrier.arrive $0xFFFF  }
0xe2: {  	_ =	shalt  }

// kernel: kernel.14.cloned.1.call-start
scs
__scs_entry_jumppad:
0x0: {  	(pc) =	sbr.rel $0x88, $3  }
0x1: {  	(tag) =	ssettag $0x0;
	lr =	simm.s32 $0x1  }
0x2: {  	[smem:$0x3F9B] =	sst lr;
	_ =	strace $0xD0000000  }
0x3: {  	_ = 	snop  }
0x4: {  	_ = 	snop  }
0x5: {  	_ = 	snop  }
0x6: {  	_ = 	snop  }
0x7: {  	_ = 	snop  }
__scs_overlays_trampoline_lowered:
0x8: {  	[smem:$0x3FAA] =	sst s0  }
0x9: {  	[smem:$0x3FAB] =	sst s1  }
0xa: {  	[smem:$0x3FAC] =	sst s2  }
0xb: {  	[smem:$0x3FAD] =	sst s3  }
0xc: {  	[smem:$0x3FAE] =	sst s4  }
0xd: {  	[smem:$0x3FAF] =	sst s5  }
0xe: {  	[smem:$0x3FB0] =	sst s6  }
0xf: {  	[smem:$0x3FB1] =	sst s7  }
0x10: {  	[smem:$0x3FB2] =	sst s8  }
0x11: {  	[smem:$0x3FB3] =	sst s9;
	s0 =	simm.s32 @!p0 $0x0  }
0x12: {  	s1 =	sld [smem:$0x3F99];
	s0 =	simm.s32 @p0 $0x1  }
0x13: {  	[smem:$0x3FB4] =	sst s0;
	s0 =	simm.s32 @!p1 $0x0  }
0x14: {  	s2 =	sld [smem:$0x3F98];
	s0 =	simm.s32 @p1 $0x1  }
0x15: {  	[smem:$0x3FB5] =	sst s0;
	s0 =	simm.s32 @!p2 $0x0  }
0x16: {  	s3 =	sld [smem:$0x3FDB];
	s0 =	simm.s32 @p2 $0x1  }
0x17: {  	s4 =	simm.s32 $0x1BF5;
	[smem:$0x3FB7] =	sst s0  }
0x18: {  	s0 =	sld [smem:$0x3F9A];
	_ =	swait.ge [sflag:s4], $0x0  }
0x19: {  	s7 =	sld [smem:$0x3F9B]  }
0x1a: {  	s8 =	sadd.s32 $0xFFFFE003, lr  }
0x1b: {  	s9 =	sadd.s32 $0xFFFFFEF7, lr;
	s5 =	simm.s32 $0xFFFFFFFF;
	p2 =	slt.u32 s8, $0xFFFFF086  }
0x1c: {  	p1 =	slt.u32 s9, $0xF7A;
	s5 =	simm.s32 @!p2 $0x0  }
0x1d: {  	s5 =	simm.s32 @p1 $0x1;
	p0 =	seq.s32 s7, s2  }
0x1e: {  	s7 =	smul.u32 @!p0 $0xF7A, s2;
	p2 =	seq.s32 @!p0 s5, $0x0  }
0x1f: {  	s9 =	smul.u32 $0xF7A, s1;
	s8 =	simm.s32 @!p0 $0x1BF5;
	p2 =	por !p2, p0  }
0x20: {  	[sflag:s8] =	ssyncset.s32 @!p0 $0xFFFFF086;
	s6 =	sadd.s32 @!p0 s3, s7;
	s7 =	simm.s32 @!p0 $0x108  }
0x21: {  	s3 =	sadd.s32 s3, s9;
	s6 =	sadd.s32 @!p0 $0x88, s6;
	s7 =	simm.s32 @p2 $0x1082  }
0x22: {  	[simem:s7], [sflag:s8] =	dma.local @!p0 [hbm:s6], $0xF7A  }
0x23: {  	s9 =	sor.u32 $0xD0000000, s2;
	s6 =	simm.s32 $0x108;
	_ =	swait.ge @!p0 [sflag:s8], $0x0  }
0x24: {  	s3 =	sadd.s32 $0x88, s3;
	s6 =	simm.s32 @!p1 $0x1082;
	[sflag:s4] =	ssyncset.s32 $0xFFFFF086  }
0x25: {  	[simem:s6], [sflag:s4] =	dma.local [hbm:s3], $0xF7A  }
0x26: {  	[smem:$0x3F9B] =	sst s1;
	(tag) =	ssettag s2;
	_ =	strace s9  }
0x27: {  	s1 =	sld [smem:$0x3FAB]  }
0x28: {  	s2 =	sld [smem:$0x3FAC]  }
0x29: {  	s4 =	sld [smem:$0x3FAE]  }
0x2a: {  	p0 =	seq.s32 s5, $0x0;
	s5 =	sld [smem:$0x3FAF]  }
0x2b: {  	s6 =	sld [smem:$0x3FB0]  }
0x2c: {  	s7 =	sld [smem:$0x3FB1]  }
0x2d: {  	s3 =	simm.s32 $0x108;
	s8 =	sld [smem:$0x3FB2]  }
0x2e: {  	s3 =	simm.s32 @!p0 $0x1082;
	s9 =	sld [smem:$0x3FB3]  }
0x2f: {  	lr =	sadd.s32 s0, s3;
	s0 =	sld [smem:$0x3FAA]  }
0x30: {  	s3 =	sld [smem:$0x3FAD]  }
0x31: {  	[smem:$0x3FB6] =	sst s10  }
0x32: {  	s10 =	sld [smem:$0x3FB4];
	_ =	sdelay $0x3  }
0x33: {  	p0 =	seq.s32 s10, $0x1;
	s10 =	sld [smem:$0x3FB6];
	_ =	sdelay $0x3  }
0x34: {  	[smem:$0x3FB6] =	sst s10  }
0x35: {  	s10 =	sld [smem:$0x3FB5];
	_ =	sdelay $0x3  }
0x36: {  	p1 =	seq.s32 s10, $0x1;
	s10 =	sld [smem:$0x3FB6];
	_ =	sdelay $0x3  }
0x37: {  	[smem:$0x3FB6] =	sst s10  }
0x38: {  	s10 =	sld [smem:$0x3FB7]  }
0x39: {  	_ = 	snop;
	(pc) =	sbr.ind lr, $3  }
0x3a: {  	_ = 	snop  }
0x3b: {  	_ = 	snop  }
0x3c: {  	p2 =	seq.s32 s10, $0x1;
	s10 =	sld [smem:$0x3FB6]  }
0x3d: {  	_ =	shalt  }
0x3e: {  	_ =	shalt  }
0x3f: {  	_ =	shalt  }
0x40: {  	_ =	shalt  }
0x41: {  	_ =	shalt  }
0x42: {  	_ =	shalt  }
0x43: {  	_ =	shalt  }
0x44: {  	_ =	shalt  }
0x45: {  	_ =	shalt  }
0x46: {  	_ =	shalt  }
0x47: {  	_ =	shalt  }
0x48: {  	_ =	shalt  }
0x49: {  	_ =	shalt  }
0x4a: {  	_ =	shalt  }
0x4b: {  	_ =	shalt  }
0x4c: {  	_ =	shalt  }
0x4d: {  	_ =	shalt  }
0x4e: {  	_ =	shalt  }
0x4f: {  	_ =	shalt  }
0x50: {  	_ =	shalt  }
0x51: {  	_ =	shalt  }
0x52: {  	_ =	shalt  }
0x53: {  	_ =	shalt  }
0x54: {  	_ =	shalt  }
0x55: {  	_ =	shalt  }
0x56: {  	_ =	shalt  }
0x57: {  	_ =	shalt  }
0x58: {  	_ =	shalt  }
0x59: {  	_ =	shalt  }
0x5a: {  	_ =	shalt  }
0x5b: {  	_ =	shalt  }
0x5c: {  	_ =	shalt  }
0x5d: {  	_ =	shalt  }
0x5e: {  	_ =	shalt  }
0x5f: {  	_ =	shalt  }
0x60: {  	_ =	shalt  }
0x61: {  	_ =	shalt  }
0x62: {  	_ =	shalt  }
0x63: {  	_ =	shalt  }
0x64: {  	_ =	shalt  }
0x65: {  	_ =	shalt  }
0x66: {  	_ =	shalt  }
0x67: {  	_ =	shalt  }
0x68: {  	_ =	shalt  }
0x69: {  	_ =	shalt  }
0x6a: {  	_ =	shalt  }
0x6b: {  	_ =	shalt  }
0x6c: {  	_ =	shalt  }
0x6d: {  	_ =	shalt  }
0x6e: {  	_ =	shalt  }
0x6f: {  	_ =	shalt  }
0x70: {  	_ =	shalt  }
0x71: {  	_ =	shalt  }
0x72: {  	_ =	shalt  }
0x73: {  	_ =	shalt  }
0x74: {  	_ =	shalt  }
0x75: {  	_ =	shalt  }
0x76: {  	_ =	shalt  }
0x77: {  	_ =	shalt  }
0x78: {  	_ =	shalt  }
0x79: {  	_ =	shalt  }
0x7a: {  	_ =	shalt  }
0x7b: {  	_ =	shalt  }
0x7c: {  	_ =	shalt  }
0x7d: {  	_ =	shalt  }
0x7e: {  	_ =	shalt  }
0x7f: {  	_ =	shalt  }
0x80: {  	_ =	shalt  }
0x81: {  	_ =	shalt  }
0x82: {  	_ =	shalt  }
0x83: {  	_ =	shalt  }
0x84: {  	_ =	shalt  }
0x85: {  	_ =	shalt  }
0x86: {  	_ =	shalt  }
0x87: {  	_ =	shalt  }
.Lfunc_end0:
.L_simem_size_0:
called_computation.2_lowered:
.L_overlay_start_0:
0x88: {  	s2 =	sld [smem:$0x3FD9]  }
0x89: {  	s3 =	sld [smem:$0x3FFE];
	_ =	sdelay $0x1  }
0x8a: {  	s1 =	srdreg.scid  }
0x8b: {  	s0 =	sand.u32 $0x1, s1  }
0x8c: {  	s17 =	sshll.u32 s0, $0xA;
	s2 =	sadd.s32 s3, s2  }
0x8d: {  	s2 =	sadd.s32 s2, s17  }
0x8e: {  	[smem:$0x3FC2] =	sst s2  }
0x8f: {  	_ = 	snop  }
0x90: {  	s2 =	sld [smem:$0x3FD0];
	(tm) =	ssettm $0x1  }
0x91: {  	s18 =	sld [smem:$0x3FFB];
	_ =	sdelay $0x3  }
0x92: {  	_ =	strace s18  }
0x93: {  	s3 =	sld [smem:$0x3FFC];
	_ =	sdelay $0x3  }
0x94: {  	_ =	strace s3  }
0x95: {  	s3 =	sld [smem:$0x3FFD];
	_ =	sdelay $0x3  }
0x96: {  	_ =	strace s3  }
0x97: {  	_ =	strace $0x8FFFFFFF  }
0x98: {  	s19 =	sld [smem:$0x3FDB];
	_ =	sdelay $0x1  }
0x99: {  	s4 =	simm.s32 $_scs_section_size  }
0x9a: {  	s5 =	simm.s32 $_size__tile_overlayer_lowered;
	s6 =	simm.s32 $_tile_overlayer_lowered  }
0x9b: {  	s22 =	simm.s32 $0x1BFF;
	s21 =	sshll.u32 s6, $0x1;
	s3 =	sadd.s32 s4, s19  }
0x9c: {  	s7 =	simm.s32 $0x0;
	s20 =	sshll.u32 s5, $0x1;
	s5 =	sadd.s32 s21, s3  }
0x9d: {  	[timem:s7], [sflag:s22] =	dma.local [hbm:s5], s20  }
0x9e: {  	_ =	swait.ge [sflag:s22], s20  }
0x9f: {  	s4 =	ssub.s32 $0x0, s20;
	[sflag:s22] =	ssyncset.done $0x0  }
0xa0: {  	[sflag:s22] =	ssyncadd.s32 s4;
	_ =	sdelay $0x1  }
0xa1: {  	s23 =	simm.s32 $0x1B8B  }
0xa2: {  	_ =	swait.ge [sflag:s23], $0x1  }
0xa3: {  	[sflag:s23] =	ssyncset.done $0x0  }
0xa4: {  	s25 =	simm.s32 $0x1B8E;
	s24 =	sld [smem:$0x3FFE];
	[sflag:s23] =	ssyncadd.s32 $0xFFFFFFFF  }
0xa5: {  	s26 =	simm.s32 $execute0_lowered;
	[smem:$0x3FD2] =	sst s25  }
0xa6: {  	s5 =	sshll.u32 s26, $0x1;
	_ =	strace $0x8000004C;
	[dreg:$0x1] =	wrdreg $0xFFFFFFFF  }
0xa7: {  	s28 =	simm.s32 $_size_execute0_lowered;
	s3 =	sadd.s32 s3, s5;
	[dreg:$0x0] =	wrdreg $0x0  }
0xa8: {  	s5 =	sshll.u32 s28, $0x1;
	[dreg:$0x2] =	wrdreg s3  }
0xa9: {  	[dreg:$0x3] =	wrdreg s5  }
0xaa: {  	[dreg:$0x4] =	wrdreg $0xC0  }
0xab: {  	_ =	task [dreg:s7], $0x5FFFF  }
0xac: {  	[dreg:$0x1] =	wrdreg $0xFFFFFFFF  }
0xad: {  	[dreg:$0x0] =	wrdreg $0x60  }
0xae: {  	[dreg:$0x2] =	wrdreg s24  }
0xaf: {  	[dreg:$0x3] =	wrdreg s2  }
0xb0: {  	[dreg:$0x4] =	wrdreg $0xA8000  }
0xb1: {  	[dreg:$0x5] =	wrdreg $0x9  }
0xb2: {  	_ =	task.clear_ibuf [dreg:s7], $0x6FFFF;
	_ =	strace $0x9000004C  }
0xb3: {  	s29 =	simm.s32 $0x9;
	_ =	strace $0x8000004E  }
0xb4: {  	_ =	swait.ge [sflag:s29], $0x1  }
0xb5: {  	[sflag:s29] =	ssyncadd.s32 $0xFFFFFFFF  }
0xb6: {  	_ =	strace $0x9000004E  }
0xb7: {  	_ =	sfence  }
0xb8: {  	s30 =	sld [smem:$0x0];
	_ =	sdelay $0x2  }
0xb9: {  	s31 =	sshll.u32 s1, $0xD;
	s1 =	sshrl.u32 s1, $0x2  }
0xba: {  	s3 =	sand.u32 $0x4000, s31;
	s1 =	sadd.s32 s1, s30  }
0xbb: {  	s0 =	sor.u32 s3, s0;
	s1 =	sshll.u32 s1, $0x11  }
0xbc: {  	s0 =	sor.u32 s1, s0  }
0xbd: {  	s0 =	sadd.s32 $0x8F2B, s0  }
0xbe: {  	[sflag:s0] =	ssyncadd.remote.s32 $0x1  }
0xbf: {  	_ =	sfence.sel $0xFFFF  }
0xc0: {  	[dreg:$0x0] =	wrdreg $0xFFFFFFFF;
	(pc) =	sbr.abs _section_cstart, $3  }
0xc1: {  	[dreg:$0x1] =	wrdreg $0xFFFFFFFF  }
0xc2: {  	_ =	task.clear_ibuf [dreg:s7], $0x2FFFF;
	_ =	strace $0x9FFFFFFF  }
0xc3: {  	(tm) =	ssettm $0x7FFFFFFF  }
tec
execute0_lowered:
.L_overlay_start_1:
0x0: {  	(tag) =	ssettag $0x1  }
0x1: {  	s0 =	rddreg [dreg:$0x0]  }
0x2: {  	s1 =	srdreg.scid;
	s3 =	rddreg [dreg:$0x2]  }
0x3: {  	s2 =	stileid.u32;
	s18 =	simm.s32 $0x0;
	s28 =	simm.s32 $0x6800  }
0x4: {  	s29 =	simm.s32 $0x180;
	s30 =	simm.s32 $0x8800;
	s31 =	simm.s32 $0x1  }
0x5: {  	s9 =	simm.s32 $0x5;
	s10 =	simm.s32 $0x4;
	s11 =	simm.s32 $0x6  }
0x6: {  	s12 =	simm.s32 $0x7;
	s13 =	simm.s32 $0x8;
	s7 =	smul.u32 $0x50000, s2  }
0x7: {  	s1 =	sand.u32 $0x1, s1;
	s6 =	smul.u32 $0x14000, s2;
	[smem:$0x7FF] =	sst s18  }
0x8: {  	s5 =	sadd.s32 $0x20400, s0;
	s4 =	smul.u32 $0x140000, s1;
	s7 =	sshrl.u32 s7, $0x2  }
0x9: {  	_ =	strace $0x8000004D;
	s14 =	ssub.s32 $0x2, s1;
	s19 =	sadd.s32 s7, s3  }
0xa: {  	s1 =	sshll.u32 s1, $0x4;
	s16 =	sadd.s32 $0x2000, s19;
	[dreg:$0x5] =	wrdreg s19  }
0xb: {  	s8 =	sshrl.u32 s14, $0x1;
	s17 =	sadd.s32 $0x4000, s19;
	[dreg:$0x8] =	wrdreg s16  }
0xc: {  	s1 =	sor.u32 s2, s1;
	s20 =	sadd.s32 $0x6000, s19;
	[dreg:$0x9] =	wrdreg s17  }
0xd: {  	s4 =	sadd.s32 s6, s4;
	s21 =	sadd.s32 $0x8000, s19;
	[dreg:$0xa] =	wrdreg s20  }
0xe: {  	s6 =	sadd.s32 $0xC400, s0;
	s22 =	sadd.s32 $0xA000, s19;
	[dreg:$0xb] =	wrdreg s21  }
0xf: {  	s4 =	sshrl.u32 s4, $0x3;
	s23 =	sadd.s32 $0xC000, s19;
	[dreg:$0xc] =	wrdreg s22  }
0x10: {  	s24 =	sadd.s32 $0xE000, s19;
	s25 =	sadd.s32 $0x10000, s19;
	[dreg:$0xd] =	wrdreg s23  }
0x11: {  	s26 =	sadd.s32 $0x12000, s19;
	s0 =	sadd.s32 s4, s0;
	[dreg:$0xe] =	wrdreg s24  }
0x12: {  	s4 =	ssub.s32 s14, s8;
	s8 =	smul.u32 $0x5000, s1;
	[dreg:$0xf] =	wrdreg s25  }
0x13: {  	[dreg:$0x10] =	wrdreg s26;
	s20 =	simm.s32 $0x2800;
	s21 =	simm.s32 $0x9  }
0x14: {  	s22 =	simm.s32 $0x1400;
	s23 =	simm.s32 $0x40;
	s24 =	simm.s32 $0x80  }
0x15: {  	s25 =	simm.s32 $0x4800;
	s26 =	simm.s32 $0x100;
	s1 =	simm.s32 $0x3  }
0x16: {  	s14 =	simm.s32 $0x2600;
	s16 =	simm.s32 $0x2700;
	s0 =	sadd.s32 $0x48400, s0  }
0x17: {  	s17 =	simm.s32 $0x2780;
	s15 =	smax.u32 s4, $0x1;
	[dreg:$0x6] =	wrdreg s0  }
0x18: {  	v0 =	vimm.f32 $0.0e+00;
	[dreg:$0x7] =	wrdreg s15;
	s0 =	simm.s32 $0x2;
	s15 =	simm.s32 $0x2680  }
.LBB2_1:
0x19: {  	[dreg:$0x4] =	wrdreg s18;
	s4 =	simm.s32 $0x0;
	s7 =	simm.s32 $0x200  }
.LBB2_2:
0x1a: {  	p0 =	sne.s32 s7, $0x7E00;
	[tilespmem:s4+$0x2870] =	vst v0  }
0x1b: {  	[tilespmem:s4+$0x2800] =	vst v0  }
0x1c: {  	[tilespmem:s4+$0x2810] =	vst v0  }
.Ltmp0:
0x1d: {  	[tilespmem:s4+$0x2820] =	vst v0;
	(pc) =	sbr.rel @p0 .LBB2_2-.Ltmp0, $4  }
0x1e: {  	[tilespmem:s4+$0x2830] =	vst v0  }
0x1f: {  	[tilespmem:s4+$0x2840] =	vst v0  }
0x20: {  	[tilespmem:s4+$0x2850] =	vst v0  }
0x21: {  	[tilespmem:s4+$0x2860] =	vst v0;
	s4 =	sshra.s32 s7, $0x2;
	s7 =	sadd.s32 $0x200, s7  }
0x22: {  	[tilespmem:s4+$0x2870] =	vst v0  }
0x23: {  	[tilespmem:s4+$0x2800] =	vst v0  }
0x24: {  	[tilespmem:s4+$0x2810] =	vst v0  }
0x25: {  	[tilespmem:s4+$0x2820] =	vst v0  }
0x26: {  	[tilespmem:s4+$0x2830] =	vst v0  }
0x27: {  	[tilespmem:s4+$0x2840] =	vst v0  }
0x28: {  	[tilespmem:s4+$0x2850] =	vst v0  }
0x29: {  	[tilespmem:s4+$0x2860] =	vst v0  }
0x2a: {  	[spmem:s19] =	stream.linear.scatter [tilespmem:s20], [sflag:$0x9], $0x2000, $0x38;
	[tilespmem:$0x1E800] =	vst v63  }
0x2b: {  	_ =	swait.ge [sflag:s21], $0x2000  }
0x2c: {  	[sflag:s21] =	ssyncset.done $0x0  }
0x2d: {  	s2 =	rddreg [dreg:$0x8];
	[sflag:s21] =	ssyncadd.s32 $0xFFFFE000  }
0x2e: {  	[spmem:s2] =	stream.linear.scatter [tilespmem:s20], [sflag:$0x9], $0x2000, $0x38;
	[tilespmem:$0x1E800] =	vst v63  }
0x2f: {  	_ =	swait.ge [sflag:s21], $0x2000  }
0x30: {  	[sflag:s21] =	ssyncset.done $0x0  }
0x31: {  	s4 =	rddreg [dreg:$0x9];
	[sflag:s21] =	ssyncadd.s32 $0xFFFFE000  }
0x32: {  	[spmem:s4] =	stream.linear.scatter [tilespmem:s20], [sflag:$0x9], $0x2000, $0x38;
	[tilespmem:$0x1E800] =	vst v63  }
0x33: {  	_ =	swait.ge [sflag:s21], $0x2000  }
0x34: {  	[sflag:s21] =	ssyncset.done $0x0  }
0x35: {  	s7 =	rddreg [dreg:$0xa];
	[sflag:s21] =	ssyncadd.s32 $0xFFFFE000  }
0x36: {  	[spmem:s7] =	stream.linear.scatter [tilespmem:s20], [sflag:$0x9], $0x2000, $0x38;
	[tilespmem:$0x1E800] =	vst v63  }
0x37: {  	_ =	swait.ge [sflag:s21], $0x2000  }
0x38: {  	[sflag:s21] =	ssyncset.done $0x0  }
0x39: {  	s18 =	rddreg [dreg:$0xb];
	[sflag:s21] =	ssyncadd.s32 $0xFFFFE000  }
0x3a: {  	[spmem:s18] =	stream.linear.scatter [tilespmem:s20], [sflag:$0x9], $0x2000, $0x38;
	[tilespmem:$0x1E800] =	vst v63  }
0x3b: {  	_ =	swait.ge [sflag:s21], $0x2000  }
0x3c: {  	[sflag:s21] =	ssyncset.done $0x0  }
0x3d: {  	s19 =	rddreg [dreg:$0xc];
	[sflag:s21] =	ssyncadd.s32 $0xFFFFE000  }
0x3e: {  	[spmem:s19] =	stream.linear.scatter [tilespmem:s20], [sflag:$0x9], $0x2000, $0x38;
	[tilespmem:$0x1E800] =	vst v63  }
0x3f: {  	_ =	swait.ge [sflag:s21], $0x2000  }
0x40: {  	[sflag:s21] =	ssyncset.done $0x0  }
0x41: {  	s4 =	rddreg [dreg:$0xd];
	[sflag:s21] =	ssyncadd.s32 $0xFFFFE000  }
0x42: {  	[spmem:s4] =	stream.linear.scatter [tilespmem:s20], [sflag:$0x9], $0x2000, $0x38;
	[tilespmem:$0x1E800] =	vst v63  }
0x43: {  	_ =	swait.ge [sflag:s21], $0x2000  }
0x44: {  	[sflag:s21] =	ssyncset.done $0x0  }
0x45: {  	s7 =	rddreg [dreg:$0xe];
	[sflag:s21] =	ssyncadd.s32 $0xFFFFE000  }
0x46: {  	[spmem:s7] =	stream.linear.scatter [tilespmem:s20], [sflag:$0x9], $0x2000, $0x38;
	[tilespmem:$0x1E800] =	vst v63  }
0x47: {  	_ =	swait.ge [sflag:s21], $0x2000  }
0x48: {  	[sflag:s21] =	ssyncset.done $0x0  }
0x49: {  	s18 =	rddreg [dreg:$0xf];
	[sflag:s21] =	ssyncadd.s32 $0xFFFFE000  }
0x4a: {  	[spmem:s18] =	stream.linear.scatter [tilespmem:s20], [sflag:$0x9], $0x2000, $0x38;
	[tilespmem:$0x1E800] =	vst v63  }
0x4b: {  	_ =	swait.ge [sflag:s21], $0x2000  }
0x4c: {  	[sflag:s21] =	ssyncset.done $0x0  }
0x4d: {  	s19 =	rddreg [dreg:$0x10];
	[sflag:s21] =	ssyncadd.s32 $0xFFFFE000  }
0x4e: {  	[spmem:s19] =	stream.linear.scatter [tilespmem:s20], [sflag:$0x9], $0x2000, $0x38;
	[tilespmem:$0x1E800] =	vst v63  }
0x4f: {  	_ =	swait.ge [sflag:s21], $0x2000  }
0x50: {  	[sflag:s21] =	ssyncset.done $0x0  }
0x51: {  	[sflag:s21] =	ssyncadd.s32 $0xFFFFE000  }
0x52: {  	s18 =	simm.s32 $0x0;
	s19 =	simm.s32 $0x0;
	[bflag:$0x0] =	sbarrier.arrive $0xFFFF  }
.LBB2_4:
0x53: {  	s4 =	smul.u32 $0x1400, s19;
	_ =	sdelay $0x1  }
0x54: {  	s4 =	sadd.s32 s8, s4  }
0x55: {  	s4 =	sshrl.u32 s4, $0x3  }
0x56: {  	s7 =	sadd.s32 s6, s4  }
0x57: {  	[tilespmem:s18], [sflag:$0x9] =	stream.linear.gather [hbm4b:s7+s18], $0x1400, $0x38;
	[tilespmem:$0x1E800] =	vst v63  }
0x58: {  	_ =	swait.ge [sflag:s21], $0x1400  }
0x59: {  	[sflag:s21] =	ssyncset.done $0x0  }
0x5a: {  	[sflag:s21] =	ssyncadd.s32 $0xFFFFEC00  }
0x5b: {  	s2 =	rddreg [dreg:$0x1]  }
0x5c: {  	s4 =	sadd.s32 s2, s4  }
0x5d: {  	[tilespmem:s22], [sflag:$0x9] =	stream.linear.gather [hbm4b:s4+s18], $0x1400, $0x38;
	[tilespmem:$0x1E800] =	vst v63  }
0x5e: {  	_ =	swait.ge [sflag:s21], $0x1400  }
0x5f: {  	[sflag:s21] =	ssyncset.done $0x0  }
0x60: {  	[sflag:s21] =	ssyncadd.s32 $0xFFFFEC00  }
0x61: {  	[tilespmem:s20], [sflag:$0x1] =	stream.indirect.gather [hbm4b:s5+s23], $0x80, s18, s23, $0xb8;
	[tilespmem:$0x1E800] =	vst v63  }
0x62: {  	_ = 	snop  }
0x63: {  	[tilespmem:s25], [sflag:$0x2] =	stream.indirect.gather [hbm4b:s5+s23], $0x80, s24, s23, $0xb8;
	[tilespmem:$0x1E800] =	vst v63  }
0x64: {  	_ = 	snop  }
0x65: {  	[tilespmem:s28], [sflag:$0x3] =	stream.indirect.gather [hbm4b:s5+s23], $0x80, s26, s23, $0xb8;
	[tilespmem:$0x1E800] =	vst v63  }
0x66: {  	_ = 	snop  }
0x67: {  	[tilespmem:s30], [sflag:$0x4] =	stream.indirect.gather [hbm4b:s5+s23], $0x80, s29, s23, $0xb8;
	[tilespmem:$0x1E800] =	vst v63  }
0x68: {  	_ =	swait.ge [sflag:s31], $0x2000  }
0x69: {  	[sflag:s31] =	ssyncset.done $0x0  }
0x6a: {  	s7 =	simm.s32 $0x1400;
	[sflag:s31] =	ssyncadd.s32 $0xFFFFE000  }
0x6b: {  	[spmem:s3] =	stream.indirect.scatter.add.f32 [tilespmem:s20], [sflag:$0x5], $0x80, s7, s23, $0xb8;
	[tilespmem:$0x1E800] =	vst v63  }
0x6c: {  	_ =	swait.ge [sflag:s0], $0x2000  }
0x6d: {  	[sflag:s0] =	ssyncset.done $0x0  }
0x6e: {  	s2 =	simm.s32 $0x1480;
	[sflag:s0] =	ssyncadd.s32 $0xFFFFE000  }
0x6f: {  	[spmem:s3] =	stream.indirect.scatter.add.f32 [tilespmem:s25], [sflag:$0x6], $0x80, s2, s23, $0xb8;
	[tilespmem:$0x1E800] =	vst v63  }
0x70: {  	_ =	swait.ge [sflag:s1], $0x2000  }
0x71: {  	[sflag:s1] =	ssyncset.done $0x0  }
0x72: {  	s7 =	simm.s32 $0x1500;
	[sflag:s1] =	ssyncadd.s32 $0xFFFFE000  }
0x73: {  	[spmem:s3] =	stream.indirect.scatter.add.f32 [tilespmem:s28], [sflag:$0x7], $0x80, s7, s23, $0xb8;
	[tilespmem:$0x1E800] =	vst v63  }
0x74: {  	_ =	swait.ge [sflag:s9], $0x2000  }
0x75: {  	[sflag:s9] =	ssyncset.done $0x0  }
0x76: {  	s2 =	simm.s32 $0x200;
	[sflag:s9] =	ssyncadd.s32 $0xFFFFE000  }
0x77: {  	[tilespmem:s20], [sflag:$0x1] =	stream.indirect.gather [hbm4b:s5+s23], $0x80, s2, s23, $0xb8;
	[tilespmem:$0x1E800] =	vst v63  }
0x78: {  	_ =	swait.ge [sflag:s10], $0x2000  }
0x79: {  	[sflag:s10] =	ssyncset.done $0x0  }
0x7a: {  	s7 =	simm.s32 $0x1580;
	[sflag:s10] =	ssyncadd.s32 $0xFFFFE000  }
0x7b: {  	[spmem:s3] =	stream.indirect.scatter.add.f32 [tilespmem:s30], [sflag:$0x8], $0x80, s7, s23, $0xb8;
	[tilespmem:$0x1E800] =	vst v63  }
0x7c: {  	_ =	swait.ge [sflag:s11], $0x2000  }
0x7d: {  	[sflag:s11] =	ssyncset.done $0x0  }
0x7e: {  	s2 =	simm.s32 $0x280;
	[sflag:s11] =	ssyncadd.s32 $0xFFFFE000  }
0x7f: {  	[tilespmem:s25], [sflag:$0x2] =	stream.indirect.gather [hbm4b:s5+s23], $0x80, s2, s23, $0xb8;
	[tilespmem:$0x1E800] =	vst v63  }
0x80: {  	_ =	swait.ge [sflag:s12], $0x2000  }
0x81: {  	[sflag:s12] =	ssyncset.done $0x0  }
0x82: {  	s7 =	simm.s32 $0x300;
	[sflag:s12] =	ssyncadd.s32 $0xFFFFE000  }
0x83: {  	[tilespmem:s28], [sflag:$0x3] =	stream.indirect.gather [hbm4b:s5+s23], $0x80, s7, s23, $0xb8;
	[tilespmem:$0x1E800] =	vst v63  }
0x84: {  	_ =	swait.ge [sflag:s13], $0x2000  }
0x85: {  	[sflag:s13] =	ssyncset.done $0x0  }
0x86: {  	s4 =	simm.s32 $0x380;
	s7 =	simm.s32 $0x800;
	[sflag:s13] =	ssyncadd.s32 $0xFFFFE000  }
.LBB2_5:
0x87: {  	[tilespmem:s30], [sflag:$0x4] =	stream.indirect.gather [hbm4b:s5+s23], $0x80, s4, s23, $0xb8;
	[tilespmem:$0x1E800] =	vst v63  }
0x88: {  	s4 =	smov.u32 s7  }
0x89: {  	p0 =	sne.s32 s7, $0x4000;
	s7 =	sadd.s32 $0x800, s7;
	_ =	swait.ge [sflag:s31], $0x2000  }
0x8a: {  	s4 =	sshra.s32 s4, $0x2;
	[sflag:s31] =	ssyncset.done $0x0  }
0x8b: {  	s2 =	sadd.s32 $0x1400, s4;
	[sflag:s31] =	ssyncadd.s32 $0xFFFFE000  }
0x8c: {  	[spmem:s3] =	stream.indirect.scatter.add.f32 [tilespmem:s20], [sflag:$0x5], $0x80, s2, s23, $0xb8;
	[tilespmem:$0x1E800] =	vst v63  }
0x8d: {  	_ =	swait.ge [sflag:s0], $0x2000  }
0x8e: {  	[sflag:s0] =	ssyncset.done $0x0  }
0x8f: {  	s2 =	sadd.s32 $0x1480, s4;
	[sflag:s0] =	ssyncadd.s32 $0xFFFFE000  }
0x90: {  	[spmem:s3] =	stream.indirect.scatter.add.f32 [tilespmem:s25], [sflag:$0x6], $0x80, s2, s23, $0xb8;
	[tilespmem:$0x1E800] =	vst v63  }
0x91: {  	_ =	swait.ge [sflag:s1], $0x2000  }
0x92: {  	[sflag:s1] =	ssyncset.done $0x0  }
0x93: {  	s2 =	sadd.s32 $0x1500, s4;
	[sflag:s1] =	ssyncadd.s32 $0xFFFFE000  }
0x94: {  	[spmem:s3] =	stream.indirect.scatter.add.f32 [tilespmem:s28], [sflag:$0x7], $0x80, s2, s23, $0xb8;
	[tilespmem:$0x1E800] =	vst v63  }
0x95: {  	_ =	swait.ge [sflag:s9], $0x2000  }
0x96: {  	[sflag:s9] =	ssyncset.done $0x0  }
0x97: {  	s2 =	sadd.s32 $0x200, s4;
	[sflag:s9] =	ssyncadd.s32 $0xFFFFE000  }
0x98: {  	[tilespmem:s20], [sflag:$0x1] =	stream.indirect.gather [hbm4b:s5+s23], $0x80, s2, s23, $0xb8;
	[tilespmem:$0x1E800] =	vst v63  }
0x99: {  	_ =	swait.ge [sflag:s10], $0x2000  }
0x9a: {  	[sflag:s10] =	ssyncset.done $0x0  }
0x9b: {  	s2 =	sadd.s32 $0x1580, s4;
	[sflag:s10] =	ssyncadd.s32 $0xFFFFE000  }
0x9c: {  	[spmem:s3] =	stream.indirect.scatter.add.f32 [tilespmem:s30], [sflag:$0x8], $0x80, s2, s23, $0xb8;
	[tilespmem:$0x1E800] =	vst v63  }
0x9d: {  	_ =	swait.ge [sflag:s11], $0x2000  }
0x9e: {  	[sflag:s11] =	ssyncset.done $0x0  }
0x9f: {  	s2 =	sadd.s32 $0x280, s4;
	[sflag:s11] =	ssyncadd.s32 $0xFFFFE000  }
0xa0: {  	[tilespmem:s25], [sflag:$0x2] =	stream.indirect.gather [hbm4b:s5+s23], $0x80, s2, s23, $0xb8;
	[tilespmem:$0x1E800] =	vst v63  }
0xa1: {  	_ =	swait.ge [sflag:s12], $0x2000  }
0xa2: {  	[sflag:s12] =	ssyncset.done $0x0  }
.Ltmp1:
0xa3: {  	s2 =	sadd.s32 $0x300, s4;
	[sflag:s12] =	ssyncadd.s32 $0xFFFFE000;
	(pc) =	sbr.rel @p0 .LBB2_5-.Ltmp1, $4  }
0xa4: {  	[tilespmem:s28], [sflag:$0x3] =	stream.indirect.gather [hbm4b:s5+s23], $0x80, s2, s23, $0xb8;
	[tilespmem:$0x1E800] =	vst v63  }
0xa5: {  	_ =	swait.ge [sflag:s13], $0x2000  }
0xa6: {  	[sflag:s13] =	ssyncset.done $0x0  }
0xa7: {  	s4 =	sadd.s32 $0x380, s4;
	[sflag:s13] =	ssyncadd.s32 $0xFFFFE000  }
0xa8: {  	[tilespmem:s30], [sflag:$0x4] =	stream.indirect.gather [hbm4b:s5+s23], $0x80, s4, s23, $0xb8;
	[tilespmem:$0x1E800] =	vst v63  }
0xa9: {  	_ =	swait.ge [sflag:s31], $0x2000  }
0xaa: {  	[sflag:s31] =	ssyncset.done $0x0  }
0xab: {  	[sflag:s31] =	ssyncadd.s32 $0xFFFFE000  }
0xac: {  	[spmem:s3] =	stream.indirect.scatter.add.f32 [tilespmem:s20], [sflag:$0x5], $0x80, s14, s23, $0xb8;
	[tilespmem:$0x1E800] =	vst v63  }
0xad: {  	_ =	swait.ge [sflag:s0], $0x2000  }
0xae: {  	[sflag:s0] =	ssyncset.done $0x0  }
0xaf: {  	[sflag:s0] =	ssyncadd.s32 $0xFFFFE000  }
0xb0: {  	[spmem:s3] =	stream.indirect.scatter.add.f32 [tilespmem:s25], [sflag:$0x6], $0x80, s15, s23, $0xb8;
	[tilespmem:$0x1E800] =	vst v63  }
0xb1: {  	_ =	swait.ge [sflag:s1], $0x2000  }
0xb2: {  	[sflag:s1] =	ssyncset.done $0x0  }
0xb3: {  	[sflag:s1] =	ssyncadd.s32 $0xFFFFE000  }
0xb4: {  	[spmem:s3] =	stream.indirect.scatter.add.f32 [tilespmem:s28], [sflag:$0x7], $0x80, s16, s23, $0xb8;
	[tilespmem:$0x1E800] =	vst v63  }
0xb5: {  	_ =	swait.ge [sflag:s9], $0x2000  }
0xb6: {  	[sflag:s9] =	ssyncset.done $0x0  }
0xb7: {  	[sflag:s9] =	ssyncadd.s32 $0xFFFFE000  }
0xb8: {  	_ =	swait.ge [sflag:s10], $0x2000  }
0xb9: {  	[sflag:s10] =	ssyncset.done $0x0  }
0xba: {  	[sflag:s10] =	ssyncadd.s32 $0xFFFFE000  }
0xbb: {  	[spmem:s3] =	stream.indirect.scatter.add.f32 [tilespmem:s30], [sflag:$0x8], $0x80, s17, s23, $0xb8;
	[tilespmem:$0x1E800] =	vst v63  }
0xbc: {  	_ =	swait.ge [sflag:s11], $0x2000  }
0xbd: {  	[sflag:s11] =	ssyncset.done $0x0  }
0xbe: {  	s19 =	sadd.s32 $0x1, s19;
	[sflag:s11] =	ssyncadd.s32 $0xFFFFE000  }
0xbf: {  	p0 =	sne.s32 s19, $0x4;
	_ =	swait.ge [sflag:s12], $0x2000  }
.Ltmp2:
0xc0: {  	[sflag:s12] =	ssyncset.done $0x0;
	(pc) =	sbr.rel @p0 .LBB2_4-.Ltmp2, $4  }
0xc1: {  	[sflag:s12] =	ssyncadd.s32 $0xFFFFE000  }
0xc2: {  	_ =	swait.ge [sflag:s13], $0x2000  }
0xc3: {  	[sflag:s13] =	ssyncset.done $0x0  }
0xc4: {  	[sflag:s13] =	ssyncadd.s32 $0xFFFFE000  }
0xc5: {  	s2 =	stileid.u32;
	[bflag:$0x0] =	sbarrier.arrive $0xFFFF  }
0xc6: {  	s2 =	sshll.u32 s2, $0x6;
	s19 =	rddreg [dreg:$0x5]  }
0xc7: {  	s7 =	rddreg [dreg:$0x6];
	s2 =	sor.u32 $0x1C09, s2;
	s4 =	sshrl.u32 s19, $0x3  }
0xc8: {  	[hbm:s7], [sflag:s2] =	dma.local [spmem:s4], $0x2800  }
0xc9: {  	_ =	swait.ge [sflag:s21], $0x2800  }
0xca: {  	s18 =	rddreg [dreg:$0x4]  }
0xcb: {  	s7 =	rddreg [dreg:$0x7];
	s18 =	sadd.s32 $0x1, s18  }
0xcc: {  	p0 =	sne.s32 s18, s7  }
.Ltmp3:
0xcd: {  	_ = 	snop;
	(pc) =	sbr.rel @p0 .LBB2_1-.Ltmp3, $3  }
0xce: {  	_ =	sdelay $0x1  }
0xcf: {  	[sflag:s21] =	ssyncset.done $0x0  }
0xd0: {  	[sflag:s21] =	ssyncadd.s32 $0xFFFFD800  }
0xd1: {  	_ =	sfence.sel $0x180000  }
0xd2: {  	[bflag:$0x0] =	sbarrier.arrive $0xFFFF  }
0xd3: {  	_ =	strace $0x9000004D  }
0xd4: {  	s0 =	stileid.u32;
	[bflag:$0x2] =	sbarrier.arrive $0xFFFF  }
0xd5: {  	p0 =	sne.s32 s0, $0x0;
	s0 =	rddreg [dreg:$0x3]  }
0xd6: {  	s0 =	sadd.s32 @!p0 $0x100000, s0  }
0xd7: {  	[sflag:s0] =	ssyncadd.tile.s32 @!p0 $0x1;
	_ =	shalt  }
.Lfunc_end2:
_tile_overlayer_lowered:
.L_overlay_start_2:
0xd8: {  	(tag) =	ssettag $0x2  }
0xd9: {  	s0 =	rddreg [dreg:$0x0];
	s2 =	stileid.u32  }
0xda: {  	s1 =	rddreg [dreg:$0x1];
	p0 =	sne.s32 s2, $0x0  }
0xdb: {  	s3 =	rddreg [dreg:$0x2];
	[bflag:$0x3] =	sbarrier.arrive $0xFFFF;
	s2 =	simm.s32 @!p0 $0x1C09  }
0xdc: {  	[timem:s3], [sflag:s2] =	dma.local @!p0 [hbm:s0], s1  }
0xdd: {  	s0 =	simm.s32 @!p0 $0x9  }
0xde: {  	_ =	swait.ge @!p0 [sflag:s0], s1  }
0xdf: {  	s1 =	ssub.s32 @!p0 $0x0, s1;
	[sflag:s0] =	ssyncset.done @!p0 $0x0  }
0xe0: {  	[sflag:s0] =	ssyncadd.s32 @!p0 s1  }
0xe1: {  	[bflag:$0x3] =	sbarrier.arrive $0xFFFF  }
0xe2: {  	_ =	shalt  }

// kernel: kernel.8.cloned.1.call-start
scs
__scs_entry_jumppad:
0x0: {  	(pc) =	sbr.rel $0x88, $3  }
0x1: {  	(tag) =	ssettag $0x0;
	lr =	simm.s32 $0x1  }
0x2: {  	[smem:$0x3F9B] =	sst lr;
	_ =	strace $0xD0000000  }
0x3: {  	_ = 	snop  }
0x4: {  	_ = 	snop  }
0x5: {  	_ = 	snop  }
0x6: {  	_ = 	snop  }
0x7: {  	_ = 	snop  }
__scs_overlays_trampoline_lowered:
0x8: {  	[smem:$0x3FAA] =	sst s0  }
0x9: {  	[smem:$0x3FAB] =	sst s1  }
0xa: {  	[smem:$0x3FAC] =	sst s2  }
0xb: {  	[smem:$0x3FAD] =	sst s3  }
0xc: {  	[smem:$0x3FAE] =	sst s4  }
0xd: {  	[smem:$0x3FAF] =	sst s5  }
0xe: {  	[smem:$0x3FB0] =	sst s6  }
0xf: {  	[smem:$0x3FB1] =	sst s7  }
0x10: {  	[smem:$0x3FB2] =	sst s8  }
0x11: {  	[smem:$0x3FB3] =	sst s9;
	s0 =	simm.s32 @!p0 $0x0  }
0x12: {  	s1 =	sld [smem:$0x3F99];
	s0 =	simm.s32 @p0 $0x1  }
0x13: {  	[smem:$0x3FB4] =	sst s0;
	s0 =	simm.s32 @!p1 $0x0  }
0x14: {  	s2 =	sld [smem:$0x3F98];
	s0 =	simm.s32 @p1 $0x1  }
0x15: {  	[smem:$0x3FB5] =	sst s0;
	s0 =	simm.s32 @!p2 $0x0  }
0x16: {  	s3 =	sld [smem:$0x3FDB];
	s0 =	simm.s32 @p2 $0x1  }
0x17: {  	s4 =	simm.s32 $0x1BF5;
	[smem:$0x3FB7] =	sst s0  }
0x18: {  	s0 =	sld [smem:$0x3F9A];
	_ =	swait.ge [sflag:s4], $0x0  }
0x19: {  	s7 =	sld [smem:$0x3F9B]  }
0x1a: {  	s8 =	sadd.s32 $0xFFFFE003, lr  }
0x1b: {  	s9 =	sadd.s32 $0xFFFFFEF7, lr;
	s5 =	simm.s32 $0xFFFFFFFF;
	p2 =	slt.u32 s8, $0xFFFFF086  }
0x1c: {  	p1 =	slt.u32 s9, $0xF7A;
	s5 =	simm.s32 @!p2 $0x0  }
0x1d: {  	s5 =	simm.s32 @p1 $0x1;
	p0 =	seq.s32 s7, s2  }
0x1e: {  	s7 =	smul.u32 @!p0 $0xF7A, s2;
	p2 =	seq.s32 @!p0 s5, $0x0  }
0x1f: {  	s9 =	smul.u32 $0xF7A, s1;
	s8 =	simm.s32 @!p0 $0x1BF5;
	p2 =	por !p2, p0  }
0x20: {  	[sflag:s8] =	ssyncset.s32 @!p0 $0xFFFFF086;
	s6 =	sadd.s32 @!p0 s3, s7;
	s7 =	simm.s32 @!p0 $0x108  }
0x21: {  	s3 =	sadd.s32 s3, s9;
	s6 =	sadd.s32 @!p0 $0x88, s6;
	s7 =	simm.s32 @p2 $0x1082  }
0x22: {  	[simem:s7], [sflag:s8] =	dma.local @!p0 [hbm:s6], $0xF7A  }
0x23: {  	s9 =	sor.u32 $0xD0000000, s2;
	s6 =	simm.s32 $0x108;
	_ =	swait.ge @!p0 [sflag:s8], $0x0  }
0x24: {  	s3 =	sadd.s32 $0x88, s3;
	s6 =	simm.s32 @!p1 $0x1082;
	[sflag:s4] =	ssyncset.s32 $0xFFFFF086  }
0x25: {  	[simem:s6], [sflag:s4] =	dma.local [hbm:s3], $0xF7A  }
0x26: {  	[smem:$0x3F9B] =	sst s1;
	(tag) =	ssettag s2;
	_ =	strace s9  }
0x27: {  	s1 =	sld [smem:$0x3FAB]  }
0x28: {  	s2 =	sld [smem:$0x3FAC]  }
0x29: {  	s4 =	sld [smem:$0x3FAE]  }
0x2a: {  	p0 =	seq.s32 s5, $0x0;
	s5 =	sld [smem:$0x3FAF]  }
0x2b: {  	s6 =	sld [smem:$0x3FB0]  }
0x2c: {  	s7 =	sld [smem:$0x3FB1]  }
0x2d: {  	s3 =	simm.s32 $0x108;
	s8 =	sld [smem:$0x3FB2]  }
0x2e: {  	s3 =	simm.s32 @!p0 $0x1082;
	s9 =	sld [smem:$0x3FB3]  }
0x2f: {  	lr =	sadd.s32 s0, s3;
	s0 =	sld [smem:$0x3FAA]  }
0x30: {  	s3 =	sld [smem:$0x3FAD]  }
0x31: {  	[smem:$0x3FB6] =	sst s10  }
0x32: {  	s10 =	sld [smem:$0x3FB4];
	_ =	sdelay $0x3  }
0x33: {  	p0 =	seq.s32 s10, $0x1;
	s10 =	sld [smem:$0x3FB6];
	_ =	sdelay $0x3  }
0x34: {  	[smem:$0x3FB6] =	sst s10  }
0x35: {  	s10 =	sld [smem:$0x3FB5];
	_ =	sdelay $0x3  }
0x36: {  	p1 =	seq.s32 s10, $0x1;
	s10 =	sld [smem:$0x3FB6];
	_ =	sdelay $0x3  }
0x37: {  	[smem:$0x3FB6] =	sst s10  }
0x38: {  	s10 =	sld [smem:$0x3FB7]  }
0x39: {  	_ = 	snop;
	(pc) =	sbr.ind lr, $3  }
0x3a: {  	_ = 	snop  }
0x3b: {  	_ = 	snop  }
0x3c: {  	p2 =	seq.s32 s10, $0x1;
	s10 =	sld [smem:$0x3FB6]  }
0x3d: {  	_ =	shalt  }
0x3e: {  	_ =	shalt  }
0x3f: {  	_ =	shalt  }
0x40: {  	_ =	shalt  }
0x41: {  	_ =	shalt  }
0x42: {  	_ =	shalt  }
0x43: {  	_ =	shalt  }
0x44: {  	_ =	shalt  }
0x45: {  	_ =	shalt  }
0x46: {  	_ =	shalt  }
0x47: {  	_ =	shalt  }
0x48: {  	_ =	shalt  }
0x49: {  	_ =	shalt  }
0x4a: {  	_ =	shalt  }
0x4b: {  	_ =	shalt  }
0x4c: {  	_ =	shalt  }
0x4d: {  	_ =	shalt  }
0x4e: {  	_ =	shalt  }
0x4f: {  	_ =	shalt  }
0x50: {  	_ =	shalt  }
0x51: {  	_ =	shalt  }
0x52: {  	_ =	shalt  }
0x53: {  	_ =	shalt  }
0x54: {  	_ =	shalt  }
0x55: {  	_ =	shalt  }
0x56: {  	_ =	shalt  }
0x57: {  	_ =	shalt  }
0x58: {  	_ =	shalt  }
0x59: {  	_ =	shalt  }
0x5a: {  	_ =	shalt  }
0x5b: {  	_ =	shalt  }
0x5c: {  	_ =	shalt  }
0x5d: {  	_ =	shalt  }
0x5e: {  	_ =	shalt  }
0x5f: {  	_ =	shalt  }
0x60: {  	_ =	shalt  }
0x61: {  	_ =	shalt  }
0x62: {  	_ =	shalt  }
0x63: {  	_ =	shalt  }
0x64: {  	_ =	shalt  }
0x65: {  	_ =	shalt  }
0x66: {  	_ =	shalt  }
0x67: {  	_ =	shalt  }
0x68: {  	_ =	shalt  }
0x69: {  	_ =	shalt  }
0x6a: {  	_ =	shalt  }
0x6b: {  	_ =	shalt  }
0x6c: {  	_ =	shalt  }
0x6d: {  	_ =	shalt  }
0x6e: {  	_ =	shalt  }
0x6f: {  	_ =	shalt  }
0x70: {  	_ =	shalt  }
0x71: {  	_ =	shalt  }
0x72: {  	_ =	shalt  }
0x73: {  	_ =	shalt  }
0x74: {  	_ =	shalt  }
0x75: {  	_ =	shalt  }
0x76: {  	_ =	shalt  }
0x77: {  	_ =	shalt  }
0x78: {  	_ =	shalt  }
0x79: {  	_ =	shalt  }
0x7a: {  	_ =	shalt  }
0x7b: {  	_ =	shalt  }
0x7c: {  	_ =	shalt  }
0x7d: {  	_ =	shalt  }
0x7e: {  	_ =	shalt  }
0x7f: {  	_ =	shalt  }
0x80: {  	_ =	shalt  }
0x81: {  	_ =	shalt  }
0x82: {  	_ =	shalt  }
0x83: {  	_ =	shalt  }
0x84: {  	_ =	shalt  }
0x85: {  	_ =	shalt  }
0x86: {  	_ =	shalt  }
0x87: {  	_ =	shalt  }
.Lfunc_end0:
.L_simem_size_0:
called_computation_lowered:
.L_overlay_start_0:
0x88: {  	s2 =	sld [smem:$0x3FD9]  }
0x89: {  	s3 =	sld [smem:$0x3FFE];
	_ =	sdelay $0x1  }
0x8a: {  	s1 =	srdreg.scid  }
0x8b: {  	s0 =	sand.u32 $0x1, s1  }
0x8c: {  	s17 =	sshll.u32 s0, $0xA;
	s2 =	sadd.s32 s3, s2  }
0x8d: {  	s2 =	sadd.s32 s2, s17  }
0x8e: {  	[smem:$0x3FC2] =	sst s2  }
0x8f: {  	_ = 	snop  }
0x90: {  	s2 =	sld [smem:$0x3FD0];
	(tm) =	ssettm $0x1  }
0x91: {  	s18 =	sld [smem:$0x3FFB];
	_ =	sdelay $0x3  }
0x92: {  	_ =	strace s18  }
0x93: {  	s3 =	sld [smem:$0x3FFC];
	_ =	sdelay $0x3  }
0x94: {  	_ =	strace s3  }
0x95: {  	s3 =	sld [smem:$0x3FFD];
	_ =	sdelay $0x3  }
0x96: {  	_ =	strace s3  }
0x97: {  	_ =	strace $0x8FFFFFFF  }
0x98: {  	s19 =	sld [smem:$0x3FDB];
	_ =	sdelay $0x1  }
0x99: {  	s4 =	simm.s32 $_scs_section_size  }
0x9a: {  	s5 =	simm.s32 $_size__tile_overlayer_lowered;
	s6 =	simm.s32 $_tile_overlayer_lowered  }
0x9b: {  	s22 =	simm.s32 $0x1BFF;
	s21 =	sshll.u32 s6, $0x1;
	s3 =	sadd.s32 s4, s19  }
0x9c: {  	s7 =	simm.s32 $0x0;
	s20 =	sshll.u32 s5, $0x1;
	s5 =	sadd.s32 s21, s3  }
0x9d: {  	[timem:s7], [sflag:s22] =	dma.local [hbm:s5], s20  }
0x9e: {  	_ =	swait.ge [sflag:s22], s20  }
0x9f: {  	s4 =	ssub.s32 $0x0, s20;
	[sflag:s22] =	ssyncset.done $0x0  }
0xa0: {  	[sflag:s22] =	ssyncadd.s32 s4;
	_ =	sdelay $0x1  }
0xa1: {  	s23 =	simm.s32 $0x1B8B  }
0xa2: {  	_ =	swait.ge [sflag:s23], $0x1  }
0xa3: {  	[sflag:s23] =	ssyncset.done $0x0  }
0xa4: {  	s25 =	simm.s32 $0x1B8E;
	s24 =	sld [smem:$0x3FFE];
	[sflag:s23] =	ssyncadd.s32 $0xFFFFFFFF  }
0xa5: {  	s26 =	simm.s32 $execute0_lowered;
	[smem:$0x3FD2] =	sst s25  }
0xa6: {  	s5 =	sshll.u32 s26, $0x1;
	_ =	strace $0x80000046;
	[dreg:$0x1] =	wrdreg $0xFFFFFFFF  }
0xa7: {  	s28 =	simm.s32 $_size_execute0_lowered;
	s3 =	sadd.s32 s3, s5;
	[dreg:$0x0] =	wrdreg $0x0  }
0xa8: {  	s5 =	sshll.u32 s28, $0x1;
	[dreg:$0x2] =	wrdreg s3  }
0xa9: {  	[dreg:$0x3] =	wrdreg s5  }
0xaa: {  	[dreg:$0x4] =	wrdreg $0xC0  }
0xab: {  	_ =	task [dreg:s7], $0x5FFFF  }
0xac: {  	[dreg:$0x1] =	wrdreg $0xFFFFFFFF  }
0xad: {  	[dreg:$0x0] =	wrdreg $0x60  }
0xae: {  	[dreg:$0x2] =	wrdreg s2  }
0xaf: {  	[dreg:$0x3] =	wrdreg s24  }
0xb0: {  	[dreg:$0x4] =	wrdreg $0x9  }
0xb1: {  	_ =	task.clear_ibuf [dreg:s7], $0x5FFFF;
	_ =	strace $0x90000046  }
0xb2: {  	s29 =	simm.s32 $0x9;
	_ =	strace $0x80000048  }
0xb3: {  	_ =	swait.ge [sflag:s29], $0x1  }
0xb4: {  	[sflag:s29] =	ssyncadd.s32 $0xFFFFFFFF  }
0xb5: {  	_ =	strace $0x90000048  }
0xb6: {  	_ =	sfence  }
0xb7: {  	s30 =	sld [smem:$0x0];
	_ =	sdelay $0x2  }
0xb8: {  	s31 =	sshll.u32 s1, $0xD;
	s1 =	sshrl.u32 s1, $0x2  }
0xb9: {  	s3 =	sand.u32 $0x4000, s31;
	s1 =	sadd.s32 s1, s30  }
0xba: {  	s0 =	sor.u32 s3, s0;
	s1 =	sshll.u32 s1, $0x11  }
0xbb: {  	s0 =	sor.u32 s1, s0  }
0xbc: {  	s0 =	sadd.s32 $0x8F2B, s0  }
0xbd: {  	[sflag:s0] =	ssyncadd.remote.s32 $0x1  }
0xbe: {  	_ =	sfence.sel $0xFFFF  }
0xbf: {  	[dreg:$0x0] =	wrdreg $0xFFFFFFFF;
	(pc) =	sbr.abs _section_cstart, $3  }
0xc0: {  	[dreg:$0x1] =	wrdreg $0xFFFFFFFF  }
0xc1: {  	_ =	task.clear_ibuf [dreg:s7], $0x2FFFF;
	_ =	strace $0x9FFFFFFF  }
0xc2: {  	(tm) =	ssettm $0x7FFFFFFF  }
0xc3: {  	_ =	shalt  }
tec
execute0_lowered:
.L_overlay_start_1:
0x0: {  	(tag) =	ssettag $0x1  }
0x1: {  	s0 =	srdreg.scid  }
0x2: {  	s3 =	sand.u32 $0x1, s0  }
0x3: {  	s4 =	rddreg [dreg:$0x0];
	s0 =	stileid.u32;
	s1 =	sshll.u32 s3, $0x4  }
0x4: {  	s5 =	rddreg [dreg:$0x1];
	s2 =	simm.s32 $0x0;
	s6 =	sor.u32 s0, s1  }
0x5: {  	s9 =	simm.s32 $0x400;
	[smem:$0x7FF] =	sst s2;
	s7 =	sshrl.u32 s6, $0x3  }
0x6: {  	s8 =	sshll.u32 s0, $0x7;
	s3 =	ssub.s32 $0x2, s3;
	s7 =	smul.u32 $0x14000, s7  }
0x7: {  	s1 =	rddreg [dreg:$0x2];
	s8 =	sand.u32 $0x380, s8;
	s6 =	smul.u32 $0xA00, s6  }
0x8: {  	_ =	strace $0x80000047;
	s30 =	sshrl.u32 s3, $0x1;
	s7 =	sor.u32 s8, s7  }
0x9: {  	s31 =	ssub.s32 s3, s30;
	s3 =	sadd.s32 s4, s6;
	s7 =	sshrl.u32 s7, $0x3  }
0xa: {  	s6 =	simm.s32 $0x1;
	s8 =	simm.s32 $0x80;
	s5 =	sadd.s32 s7, s5  }
0xb: {  	v0 =	vimm.f32 $0.0e+00;
	v1 =	vimm.f32 $1.000000000e+00;
	s7 =	simm.s32 $0x5000;
	s4 =	sadd.s32 $0x2400, s5;
	s5 =	smax.u32 s31, $0x1  }
.LBB2_1:
0xc: {  	s10 =	simm.s32 $0x40;
	s11 =	simm.s32 $0x0  }
.LBB2_2:
0xd: {  	p0 =	sne.s32 s10, $0x9FC0;
	[tilespmem:s11+$0x5000] =	vst v0;
	s11 =	smov.u32 s10;
	s10 =	sadd.s32 $0x40, s10  }
.Ltmp0:
0xe: {  	(pc) =	sbr.rel @p0 .LBB2_2-.Ltmp0, $2  }
0xf: {  	_ =	sdelay $0x2  }
0x10: {  	s11 =	sshra.s32 s11, $0x2  }
0x11: {  	[tilespmem:s11+$0x5000] =	vst v0;
	s10 =	simm.s32 $0x0  }
0x12: {  	[tilespmem:s10], [sflag:$0x1] =	stream.linear.gather [hbm4b:s3+s10], $0x5000, $0x38;
	[tilespmem:$0x7800] =	vst v63  }
0x13: {  	_ =	swait.ge [sflag:s6], $0x5000  }
0x14: {  	[sflag:s6] =	ssyncset.done $0x0  }
0x15: {  	[sflag:s6] =	ssyncadd.s32 $0xFFFFB000  }
.LBB2_4:
0x16: {  	s11 =	sshra.s32 s10, $0x2  }
0x17: {  	v2 =	vld [tilespmem:s11+$0x0];
	_ =	sdelay $0x7  }
0x18: {  	[tilespmem:v2+s7+$0x0] =	vst.idx.add.f32.msk $0xffff, v1  }
0x19: {  	v2 =	vld [tilespmem:s11+$0x10];
	_ =	sdelay $0x7  }
0x1a: {  	[tilespmem:v2+s7+$0x0] =	vst.idx.add.f32.msk $0xffff, v1  }
0x1b: {  	v2 =	vld [tilespmem:s11+$0x20];
	_ =	sdelay $0x7  }
0x1c: {  	[tilespmem:v2+s7+$0x0] =	vst.idx.add.f32.msk $0xffff, v1  }
0x1d: {  	v2 =	vld [tilespmem:s11+$0x30];
	_ =	sdelay $0x2  }
0x1e: {  	p0 =	sne.s32 s10, $0x13E00  }
.Ltmp1:
0x1f: {  	_ = 	snop;
	(pc) =	sbr.rel @p0 .LBB2_4-.Ltmp1, $2  }
0x20: {  	_ =	sdelay $0x2  }
0x21: {  	s10 =	sadd.s32 $0x200, s10;
	[tilespmem:v2+s7+$0x0] =	vst.idx.add.f32.msk $0xffff, v1  }
0x22: {  	s2 =	sadd.s32 $0x1, s2  }
0x23: {  	p0 =	sne.s32 s2, s5  }
.Ltmp2:
0x24: {  	_ = 	snop;
	(pc) =	sbr.rel @p0 .LBB2_1-.Ltmp2, $4  }
0x25: {  	[hbm4b:s4+s8] =	stream.strided.scatter [tilespmem:s7], [sflag:$0x1], $0x2800, s9, s8, $0x38;
	[tilespmem:$0x7800] =	vst v63  }
0x26: {  	_ =	swait.ge [sflag:s6], $0x2800  }
0x27: {  	[sflag:s6] =	ssyncset.done $0x0  }
0x28: {  	[sflag:s6] =	ssyncadd.s32 $0xFFFFD800  }
0x29: {  	_ =	sfence.sel $0x180000  }
0x2a: {  	[bflag:$0x0] =	sbarrier.arrive $0xFFFF  }
0x2b: {  	p0 =	sne.s32 s0, $0x0;
	_ =	strace $0x90000047  }
0x2c: {  	s0 =	sadd.s32 @!p0 $0x100000, s1;
	[bflag:$0x2] =	sbarrier.arrive $0xFFFF  }
0x2d: {  	[sflag:s0] =	ssyncadd.tile.s32 @!p0 $0x1;
	_ =	shalt  }
.Lfunc_end2:
_tile_overlayer_lowered:
.L_overlay_start_2:
0x2e: {  	(tag) =	ssettag $0x2  }
0x2f: {  	s0 =	rddreg [dreg:$0x0];
	s2 =	stileid.u32  }
0x30: {  	s1 =	rddreg [dreg:$0x1];
	p0 =	sne.s32 s2, $0x0  }
0x31: {  	s3 =	rddreg [dreg:$0x2];
	[bflag:$0x3] =	sbarrier.arrive $0xFFFF;
	s2 =	simm.s32 @!p0 $0x1C01  }
0x32: {  	[timem:s3], [sflag:s2] =	dma.local @!p0 [hbm:s0], s1  }
0x33: {  	s0 =	simm.s32 @!p0 $0x1  }
0x34: {  	_ =	swait.ge @!p0 [sflag:s0], s1  }
0x35: {  	s1 =	ssub.s32 @!p0 $0x0, s1;
	[sflag:s0] =	ssyncset.done @!p0 $0x0  }
0x36: {  	[sflag:s0] =	ssyncadd.s32 @!p0 s1  }
0x37: {  	[bflag:$0x3] =	sbarrier.arrive $0xFFFF  }
0x38: {  	_ =	shalt  }

</sc_bundles>
